<compile_context>
chip_gen: v7x
topology: tpu7x:2x2x1
jax: 0.10.2.dev20260603
libtpu: 0.0.44.dev20260713+nightly
codegen_flags: <defaults>
</compile_context>

<pallas_src>
import dataclasses
import functools

import jax
import jax.numpy as jnp
from jax import lax
from jax.experimental import pallas as pl
from jax.experimental.pallas import tpu as pltpu
from jax.experimental.pallas import tpu_sc as plsc

N = 10000
E = 320000
H = 128
NC = 2
NS = 16
L = 16
NW = NC * NS
EPW = E // NW
K = 40
CH = EPW // K
NP = 10240
RPS = NP // NS
NJ = H // L



def _prep_body(emb_ref, feat_ref, w1_ref, w2_ref, bl_ref, a_ref, b_ref):
    a_ref[...] = emb_ref[...] @ w1_ref[...]
    b_ref[...] = feat_ref[...] @ w2_ref[...] + bl_ref[...]


def _tc_prep(emb, feat, w1t, w2t, bl):
    bn = 1000
    grid = (N // bn,)
    return pl.pallas_call(
        _prep_body,
        grid=grid,
        in_specs=[
            pl.BlockSpec((bn, H), lambda i: (i, 0)),
            pl.BlockSpec((bn, H), lambda i: (i, 0)),
            pl.BlockSpec((H, H), lambda i: (0, 0)),
            pl.BlockSpec((H, H), lambda i: (0, 0)),
            pl.BlockSpec((1, H), lambda i: (0, 0)),
        ],
        out_specs=[
            pl.BlockSpec((bn, H), lambda i: (i, 0)),
            pl.BlockSpec((bn, H), lambda i: (i, 0)),
        ],
        out_shape=[
            jax.ShapeDtypeStruct((N, H), jnp.float32),
            jax.ShapeDtypeStruct((N, H), jnp.float32),
        ],
    )(emb, feat, w1t, w2t, bl)


def _update_body(a0_ref, s0_ref, s1_ref, dp_ref, a1_ref):
    d = jnp.sum(dp_ref[...], axis=1, keepdims=True)
    ssum = s0_ref[...] + s1_ref[...]
    a1_ref[...] = jnp.where(d > 0.0, ssum / jnp.maximum(d, 1.0), a0_ref[...])


def _tc_update(a0, s0, s1, dparts_t):
    bn = 1000
    grid = (N // bn,)
    return pl.pallas_call(
        _update_body,
        grid=grid,
        in_specs=[
            pl.BlockSpec((bn, H), lambda i: (i, 0)),
            pl.BlockSpec((bn, H), lambda i: (i, 0)),
            pl.BlockSpec((bn, H), lambda i: (i, 0)),
            pl.BlockSpec((bn, NW), lambda i: (i, 0)),
        ],
        out_specs=pl.BlockSpec((bn, H), lambda i: (i, 0)),
        out_shape=jax.ShapeDtypeStruct((N, H), jnp.float32),
    )(a0, s0, s1, dparts_t)


def _finish_body(p1_ref, p2_ref, bu_ref, s1_ref, s2_ref):
    bu = bu_ref[0, 0]
    s1_ref[...] = jnp.sum(p1_ref[...], axis=1, keepdims=True) + bu
    s2_ref[...] = jnp.sum(p2_ref[...], axis=1, keepdims=True) + bu


def _tc_finish(p1, p2, bu):
    bn = 8000
    grid = (E // bn,)
    return pl.pallas_call(
        _finish_body,
        grid=grid,
        in_specs=[
            pl.BlockSpec((bn, L), lambda i: (i, 0)),
            pl.BlockSpec((bn, L), lambda i: (i, 0)),
            pl.BlockSpec((1, 1), lambda i: (0, 0)),
        ],
        out_specs=[
            pl.BlockSpec((bn, 1), lambda i: (i, 0)),
            pl.BlockSpec((bn, 1), lambda i: (i, 0)),
        ],
        out_shape=[
            jax.ShapeDtypeStruct((E, 1), jnp.float32),
            jax.ShapeDtypeStruct((E, 1), jnp.float32),
        ],
    )(p1, p2, bu)



def _sc_mesh():
    return plsc.VectorSubcoreMesh(
        core_axis_name="c", subcore_axis_name="s", num_cores=NC, num_subcores=NS
    )


def _sc_params():
    cp = pltpu.CompilerParams()
    if "needs_layout_passes" in pltpu.CompilerParams.__dataclass_fields__:
        cp = dataclasses.replace(cp, needs_layout_passes=False)
    return cp


def _edge_dot(a_v, b_v, wu_v, p_v):

    @pl.loop(0, K)
    def _(e):
        acc = jnp.zeros((L,), jnp.float32)
        for j in range(NJ):
            av = a_v[e, pl.ds(j * L, L)]
            bv = b_v[e, pl.ds(j * L, L)]
            t = jnp.maximum(av + bv, 0.0)
            acc = acc + t * wu_v[pl.ds(j * L, L)]
        p_v[e, :] = acc


def _count_deg(deg_l, idx_d, ovh_v):
    ov = jnp.ones((L,), jnp.float32)
    plsc.addupdate_scatter(deg_l, [idx_d[0, pl.ds(0, L)]], ov)
    plsc.addupdate_scatter(deg_l, [idx_d[0, pl.ds(L, L)]], ov)
    plsc.addupdate_scatter(deg_l, [idx_d[0, pl.ds(K - L, L)]], ovh_v[...])


def _sc_block1(a_hbm, b_hbm, src, dst, wu, ovh):

    @functools.partial(
        pl.kernel,
        out_type=[
            jax.ShapeDtypeStruct((E, L), jnp.float32),
            jax.ShapeDtypeStruct((NC, NP, H), jnp.float32),
            jax.ShapeDtypeStruct((NC, NS, NP), jnp.float32),
        ],
        mesh=_sc_mesh(),
        compiler_params=_sc_params(),
        scratch_types=[
            pltpu.VMEM((K,), jnp.int32),
            pltpu.VMEM((1, K), jnp.int32),
            pltpu.VMEM((K,), jnp.int32),
            pltpu.VMEM((1, K), jnp.int32),
            pltpu.VMEM((K, H), jnp.float32),
            pltpu.VMEM((K, H), jnp.float32),
            pltpu.VMEM((K, H), jnp.float32),
            pltpu.VMEM((K, H), jnp.float32),
            pltpu.VMEM((K, L), jnp.float32),
            pltpu.VMEM((H,), jnp.float32),
            pltpu.VMEM((L,), jnp.float32),
            pltpu.VMEM((NP,), jnp.float32),
            pltpu.VMEM_SHARED((NP, H), jnp.float32),
            pltpu.SemaphoreType.DMA,
            pltpu.SemaphoreType.DMA,
            pltpu.SemaphoreType.DMA,
            pltpu.SemaphoreType.DMA,
        ],
    )
    def k(a_ref, b_ref, src_ref, dst_ref, wu_ref, ovh_ref,
          p_out, asum_out, deg_out,
          idx_sa, idx_da, idx_sb, idx_db, a_va, b_va, a_vb, b_vb,
          p_v, wu_v, ovh_v, deg_l, asum_sh,
          sem_a, sem_b, sem_c, sem_d):
        c = lax.axis_index("c")
        sid = lax.axis_index("s")
        wid = sid * NC + c
        base = wid * EPW
        r0 = sid * RPS

        pltpu.sync_copy(wu_ref, wu_v)
        pltpu.sync_copy(ovh_ref, ovh_v)

        zv = jnp.zeros((L,), jnp.float32)

        @pl.loop(0, K)
        def _(e):
            for j in range(NJ):
                a_va[e, pl.ds(j * L, L)] = zv

        @pl.loop(0, NP // L)
        def _(t):
            deg_l[pl.ds(t * L, L)] = zv

        @pl.loop(0, RPS // K)
        def _(t):
            pltpu.sync_copy(a_va, asum_sh.at[pl.ds(r0 + t * K, K)])

        plsc.subcore_barrier()

        @pl.loop(0, CH // 2)
        def _(g):
            offa = base + 2 * g * K
            offb = offa + K
            pltpu.sync_copy(src_ref.at[pl.ds(offa, K)], idx_sa)
            pltpu.sync_copy(dst_ref.at[pl.ds(offa, K)], idx_da.at[0])
            cpa1 = pltpu.async_copy(a_ref.at[idx_sa], a_va, sem_a)
            cpa2 = pltpu.async_copy(b_ref.at[idx_da.at[0]], b_va, sem_b)
            pltpu.sync_copy(src_ref.at[pl.ds(offb, K)], idx_sb)
            pltpu.sync_copy(dst_ref.at[pl.ds(offb, K)], idx_db.at[0])
            cpb1 = pltpu.async_copy(a_ref.at[idx_sb], a_vb, sem_c)
            cpb2 = pltpu.async_copy(b_ref.at[idx_db.at[0]], b_vb, sem_d)
            cpa1.wait()
            cpa2.wait()
            _edge_dot(a_va, b_va, wu_v, p_v)
            pltpu.sync_copy(p_v, p_out.at[pl.ds(offa, K)])
            pltpu.sync_copy(a_va, asum_sh.at[idx_da.at[0]], add=True)
            _count_deg(deg_l, idx_da, ovh_v)
            cpb1.wait()
            cpb2.wait()
            _edge_dot(a_vb, b_vb, wu_v, p_v)
            pltpu.sync_copy(p_v, p_out.at[pl.ds(offb, K)])
            pltpu.sync_copy(a_vb, asum_sh.at[idx_db.at[0]], add=True)
            _count_deg(deg_l, idx_db, ovh_v)

        plsc.subcore_barrier()

        @pl.loop(0, RPS // K)
        def _(t):
            q0 = r0 + t * K
            pltpu.sync_copy(asum_sh.at[pl.ds(q0, K)], a_va)
            pltpu.sync_copy(a_va, asum_out.at[c, pl.ds(q0, K)])

        pltpu.sync_copy(deg_l, deg_out.at[c, sid])

    return k(a_hbm, b_hbm, src, dst, wu, ovh)


def _sc_block2(a_hbm, b_hbm, src, dst, wu):

    @functools.partial(
        pl.kernel,
        out_type=jax.ShapeDtypeStruct((E, L), jnp.float32),
        mesh=_sc_mesh(),
        compiler_params=_sc_params(),
        scratch_types=[
            pltpu.VMEM((K,), jnp.int32),
            pltpu.VMEM((K,), jnp.int32),
            pltpu.VMEM((K,), jnp.int32),
            pltpu.VMEM((K,), jnp.int32),
            pltpu.VMEM((K, H), jnp.float32),
            pltpu.VMEM((K, H), jnp.float32),
            pltpu.VMEM((K, H), jnp.float32),
            pltpu.VMEM((K, H), jnp.float32),
            pltpu.VMEM((K, L), jnp.float32),
            pltpu.VMEM((H,), jnp.float32),
            pltpu.SemaphoreType.DMA,
            pltpu.SemaphoreType.DMA,
            pltpu.SemaphoreType.DMA,
            pltpu.SemaphoreType.DMA,
        ],
    )
    def k(a_ref, b_ref, src_ref, dst_ref, wu_ref,
          p_out, idx_sa, idx_da, idx_sb, idx_db, a_va, b_va, a_vb, b_vb,
          p_v, wu_v, sem_a, sem_b, sem_c, sem_d):
        c = lax.axis_index("c")
        sid = lax.axis_index("s")
        wid = sid * NC + c
        base = wid * EPW

        pltpu.sync_copy(wu_ref, wu_v)

        @pl.loop(0, CH // 2)
        def _(g):
            offa = base + 2 * g * K
            offb = offa + K
            pltpu.sync_copy(src_ref.at[pl.ds(offa, K)], idx_sa)
            pltpu.sync_copy(dst_ref.at[pl.ds(offa, K)], idx_da)
            cpa1 = pltpu.async_copy(a_ref.at[idx_sa], a_va, sem_a)
            cpa2 = pltpu.async_copy(b_ref.at[idx_da], b_va, sem_b)
            pltpu.sync_copy(src_ref.at[pl.ds(offb, K)], idx_sb)
            pltpu.sync_copy(dst_ref.at[pl.ds(offb, K)], idx_db)
            cpb1 = pltpu.async_copy(a_ref.at[idx_sb], a_vb, sem_c)
            cpb2 = pltpu.async_copy(b_ref.at[idx_db], b_vb, sem_d)
            cpa1.wait()
            cpa2.wait()
            _edge_dot(a_va, b_va, wu_v, p_v)
            pltpu.sync_copy(p_v, p_out.at[pl.ds(offa, K)])
            cpb1.wait()
            cpb2.wait()
            _edge_dot(a_vb, b_vb, wu_v, p_v)
            pltpu.sync_copy(p_v, p_out.at[pl.ds(offb, K)])

    return k(a_hbm, b_hbm, src, dst, wu)



def kernel(features, emb, edge_index, W_z, b_z, W_l, b_l, W_u, b_u):
    src = edge_index[0]
    dst = edge_index[1]
    w1t = W_l[:, :H].T
    w2t = W_l[:, H:].T
    bl = b_l.reshape(1, H)
    wu = W_u[0]

    a0, b_tab = _tc_prep(emb, features, w1t, w2t, bl)

    ovh = jnp.concatenate(
        [jnp.zeros((8,), jnp.float32), jnp.ones((8,), jnp.float32)]
    )

    p1, asum, degp = _sc_block1(a0, b_tab, src, dst, wu, ovh)
    dparts_t = degp.reshape(NW, NP).T[:N]
    a1 = _tc_update(a0, asum[0, :N], asum[1, :N], dparts_t)
    p2 = _sc_block2(a1, b_tab, src, dst, wu)

    s1, s2 = _tc_finish(p1, p2, b_u.reshape(1, 1))
    return (s1, s2)

# --- scband reference (transcript-rebuilt; emitter-appended) ---
"""Pipeline reference for scband-sub-gdiscriminator-5944234737771 (READ-ONLY COPY).

The authoritative reference and input builder live on the scoring server;
editing this copy changes nothing except your own understanding.
"""

import jax, jax.numpy as jnp
import numpy as np

N = 10000
E = 320000
IN_FEATS = 128
N_HIDDEN = 128
NUM_BLOCKS = 2


def setup_inputs(seed: int = 0) -> dict:
    key = jax.random.key(seed)
    ks = jax.random.split(key, 8)
    features = jax.random.normal(ks[0], (N, IN_FEATS), dtype=jnp.float32)
    emb = jax.random.normal(ks[1], (N, N_HIDDEN), dtype=jnp.float32)
    edge_index = jax.random.randint(ks[2], (2, E), 0, N)
    # learned params (SubGDiscriminator: W_z from GRUReduce, linear, U_s)
    W_z = jax.random.normal(ks[3], (N_HIDDEN, IN_FEATS), dtype=jnp.float32) * (1.0 / np.sqrt(IN_FEATS))
    b_z = jnp.zeros((N_HIDDEN,), dtype=jnp.float32)
    W_l = jax.random.normal(ks[4], (N_HIDDEN, 2 * N_HIDDEN), dtype=jnp.float32) * (1.0 / np.sqrt(2 * N_HIDDEN))
    b_l = jnp.zeros((N_HIDDEN,), dtype=jnp.float32)
    W_u = jax.random.normal(ks[5], (1, N_HIDDEN), dtype=jnp.float32) * (1.0 / np.sqrt(N_HIDDEN))
    b_u = jnp.zeros((1,), dtype=jnp.float32)
    return {
        'features': features,
        'emb': emb,
        'edge_index': edge_index,
        'W_z': W_z, 'b_z': b_z,
        'W_l': W_l, 'b_l': b_l,
        'W_u': W_u, 'b_u': b_u,
    }


def reference(features, emb, edge_index, W_z, b_z, W_l, b_l, W_u, b_u):
    src = edge_index[0]
    dst = edge_index[1]
    # apply_nodes (GRUReduce, no-mailbox branch): m = W_z(x), root = emb
    m = features @ W_z.T + b_z
    root = emb
    # degree for mean aggregation
    ones = jnp.ones((src.shape[0], 1), dtype=jnp.float32)
    deg = jax.ops.segment_sum(ones, dst, num_segments=N)
    denom = jnp.maximum(deg, 1.0)
    has_msg = deg > 0
    edge_embs = []
    for _ in range(NUM_BLOCKS):
        # edge_output: h = cat([root_src, x_dst]); score = U_s(relu(linear(h)))
        h = jnp.concatenate([root[src], features[dst]], axis=1)
        s = jax.nn.relu(h @ W_l.T + b_l) @ W_u.T + b_u
        edge_embs.append(s)
        # push: MsgLayer sends {m: src m, root: src root};
        # GRUReduce (mailbox branch): m = relu(W_z(x) + mean(m)); root = mean(root)
        m_sum = jax.ops.segment_sum(m[src], dst, num_segments=N)
        root_sum = jax.ops.segment_sum(root[src], dst, num_segments=N)
        m_new = jnp.where(has_msg, jax.nn.relu(features @ W_z.T + b_z + m_sum / denom), m)
        root_new = jnp.where(has_msg, root_sum / denom, root)
        m = m_new
        root = root_new
    return tuple(edge_embs)

if __name__ == "__main__":
    import jax
    _d = setup_inputs()
    print(jax.jit(kernel)(*tuple(_d.values())))

</pallas_src>

<mosaic_0001>
#map = affine_map<(d0, d1) -> (0, 0)>
#map1 = affine_map<(d0, d1) -> (0)>
#map2 = affine_map<(d0, d1) -> (0, 0, 0)>
module attributes {stable_mosaic.version = 14 : i64} {
  func.func @k(%arg0: i32, %arg1: i32, %arg2: memref<10000x128xf32, #tpu.memory_space<hbm>>, %arg3: memref<10000x128xf32, #tpu.memory_space<hbm>>, %arg4: memref<320000xi32, #tpu.memory_space<hbm>>, %arg5: memref<320000xi32, #tpu.memory_space<hbm>>, %arg6: memref<128xf32, #tpu.memory_space<hbm>>, %arg7: memref<16xf32, #tpu.memory_space<hbm>>, %arg8: memref<320000x16xf32, #tpu.memory_space<hbm>>, %arg9: memref<2x10240x128xf32, #tpu.memory_space<hbm>>, %arg10: memref<2x16x10240xf32, #tpu.memory_space<hbm>>, %arg11: memref<40xi32, #tpu.memory_space<vmem>>, %arg12: memref<1x40xi32, #tpu.memory_space<vmem>>, %arg13: memref<40xi32, #tpu.memory_space<vmem>>, %arg14: memref<1x40xi32, #tpu.memory_space<vmem>>, %arg15: memref<40x128xf32, #tpu.memory_space<vmem>>, %arg16: memref<40x128xf32, #tpu.memory_space<vmem>>, %arg17: memref<40x128xf32, #tpu.memory_space<vmem>>, %arg18: memref<40x128xf32, #tpu.memory_space<vmem>>, %arg19: memref<40x16xf32, #tpu.memory_space<vmem>>, %arg20: memref<128xf32, #tpu.memory_space<vmem>>, %arg21: memref<16xf32, #tpu.memory_space<vmem>>, %arg22: memref<10240xf32, #tpu.memory_space<vmem>>, %arg23: memref<10240x128xf32, #tpu.memory_space<vmem_shared>>, %arg24: memref<!tpu.dma_semaphore, #tpu.memory_space<semaphore_mem>>, %arg25: memref<!tpu.dma_semaphore, #tpu.memory_space<semaphore_mem>>, %arg26: memref<!tpu.dma_semaphore, #tpu.memory_space<semaphore_mem>>, %arg27: memref<!tpu.dma_semaphore, #tpu.memory_space<semaphore_mem>>) attributes {dimension_semantics = [#tpu.dimension_semantics<core_parallel>, #tpu.dimension_semantics<subcore_parallel>], iteration_bounds = array<i64: 2, 16>, scalar_prefetch = 0 : i64, scratch_operands = 17 : i64, tpu.core_type = #tpu.core_type<sc_vector_subcore>, window_params = [{transform_indices = #map}, {transform_indices = #map}, {transform_indices = #map1}, {transform_indices = #map1}, {transform_indices = #map1}, {transform_indices = #map1}, {transform_indices = #map}, {transform_indices = #map2}, {transform_indices = #map2}]} {
    %mul3A = arith.constant 2 : i32
    %mul3A_0 = arith.muli %arg1, %mul3A : i32
    %add3A = arith.addi %mul3A_0, %arg0 : i32
    %mul3A_1 = arith.constant 10000 : i32
    %mul3A_2 = arith.muli %add3A, %mul3A_1 : i32
    %mul3A_3 = arith.constant 640 : i32
    %mul3A_4 = arith.muli %arg1, %mul3A_3 : i32
    "tpu.region"() ({
      %run_scoped3A = tpu.sem_alloc : memref<!tpu.dma_semaphore, #tpu.memory_space<semaphore_mem>>
      tpu.enqueue_dma source(%arg6 : memref<128xf32, #tpu.memory_space<hbm>>) target(%arg20 : memref<128xf32, #tpu.memory_space<vmem>>) target_semaphore(%run_scoped3A : memref<!tpu.dma_semaphore, #tpu.memory_space<semaphore_mem>>)
      tpu.wait_dma2 semaphore(%run_scoped3A : memref<!tpu.dma_semaphore, #tpu.memory_space<semaphore_mem>>) src(%arg6 : memref<128xf32, #tpu.memory_space<hbm>>) dst(%arg20 : memref<128xf32, #tpu.memory_space<vmem>>)
      tpu.yield
    }) : () -> ()
    "tpu.region"() ({
      %run_scoped3A = tpu.sem_alloc : memref<!tpu.dma_semaphore, #tpu.memory_space<semaphore_mem>>
      tpu.enqueue_dma source(%arg7 : memref<16xf32, #tpu.memory_space<hbm>>) target(%arg21 : memref<16xf32, #tpu.memory_space<vmem>>) target_semaphore(%run_scoped3A : memref<!tpu.dma_semaphore, #tpu.memory_space<semaphore_mem>>)
      tpu.wait_dma2 semaphore(%run_scoped3A : memref<!tpu.dma_semaphore, #tpu.memory_space<semaphore_mem>>) src(%arg7 : memref<16xf32, #tpu.memory_space<hbm>>) dst(%arg21 : memref<16xf32, #tpu.memory_space<vmem>>)
      tpu.yield
    }) : () -> ()
    %broadcast_in_dim3A = arith.constant 0.000000e+00 : f32
    %broadcast_in_dim3A_5 = vector.broadcast %broadcast_in_dim3A : f32 to vector<16xf32>
    %scan3A = arith.constant 0 : i32
    %scan3A_6 = arith.constant 40 : i32
    %scan3A_7 = arith.addi %scan3A, %scan3A_6 : i32
    %scan3A_8 = arith.constant 1 : i32
    scf.for %scan3A_31 = %scan3A to %scan3A_7 step %scan3A_8  : i32 {
      %mul3A_32 = arith.constant 1 : i32
      %mul3A_33 = arith.muli %scan3A_31, %mul3A_32 : i32
      %add3A_34 = arith.constant 0 : i32
      %add3A_35 = arith.addi %add3A_34, %mul3A_33 : i32
      %swap3A = arith.index_cast %add3A_35 : i32 to index
      %swap3A_36 = arith.constant 0 : index
      %swap3A_37 = tpu.vector_load %arg15[%swap3A, %swap3A_36] {strides = array<i32>} : memref<40x128xf32, #tpu.memory_space<vmem>>, vector<16xf32>,
      tpu.vector_store %arg15[%swap3A, %swap3A_36], %broadcast_in_dim3A_5 {strides = array<i32>} : memref<40x128xf32, #tpu.memory_space<vmem>>, vector<16xf32>,
      %swap3A_38 = arith.index_cast %add3A_35 : i32 to index
      %swap3A_39 = arith.constant 16 : index
      %swap3A_40 = tpu.vector_load %arg15[%swap3A_38, %swap3A_39] {strides = array<i32>} : memref<40x128xf32, #tpu.memory_space<vmem>>, vector<16xf32>,
      tpu.vector_store %arg15[%swap3A_38, %swap3A_39], %broadcast_in_dim3A_5 {strides = array<i32>} : memref<40x128xf32, #tpu.memory_space<vmem>>, vector<16xf32>,
      %swap3A_41 = arith.index_cast %add3A_35 : i32 to index
      %swap3A_42 = arith.constant 32 : index
      %swap3A_43 = tpu.vector_load %arg15[%swap3A_41, %swap3A_42] {strides = array<i32>} : memref<40x128xf32, #tpu.memory_space<vmem>>, vector<16xf32>,
      tpu.vector_store %arg15[%swap3A_41, %swap3A_42], %broadcast_in_dim3A_5 {strides = array<i32>} : memref<40x128xf32, #tpu.memory_space<vmem>>, vector<16xf32>,
      %swap3A_44 = arith.index_cast %add3A_35 : i32 to index
      %swap3A_45 = arith.constant 48 : index
      %swap3A_46 = tpu.vector_load %arg15[%swap3A_44, %swap3A_45] {strides = array<i32>} : memref<40x128xf32, #tpu.memory_space<vmem>>, vector<16xf32>,
      tpu.vector_store %arg15[%swap3A_44, %swap3A_45], %broadcast_in_dim3A_5 {strides = array<i32>} : memref<40x128xf32, #tpu.memory_space<vmem>>, vector<16xf32>,
      %swap3A_47 = arith.index_cast %add3A_35 : i32 to index
      %swap3A_48 = arith.constant 64 : index
      %swap3A_49 = tpu.vector_load %arg15[%swap3A_47, %swap3A_48] {strides = array<i32>} : memref<40x128xf32, #tpu.memory_space<vmem>>, vector<16xf32>,
      tpu.vector_store %arg15[%swap3A_47, %swap3A_48], %broadcast_in_dim3A_5 {strides = array<i32>} : memref<40x128xf32, #tpu.memory_space<vmem>>, vector<16xf32>,
      %swap3A_50 = arith.index_cast %add3A_35 : i32 to index
      %swap3A_51 = arith.constant 80 : index
      %swap3A_52 = tpu.vector_load %arg15[%swap3A_50, %swap3A_51] {strides = array<i32>} : memref<40x128xf32, #tpu.memory_space<vmem>>, vector<16xf32>,
      tpu.vector_store %arg15[%swap3A_50, %swap3A_51], %broadcast_in_dim3A_5 {strides = array<i32>} : memref<40x128xf32, #tpu.memory_space<vmem>>, vector<16xf32>,
      %swap3A_53 = arith.index_cast %add3A_35 : i32 to index
      %swap3A_54 = arith.constant 96 : index
      %swap3A_55 = tpu.vector_load %arg15[%swap3A_53, %swap3A_54] {strides = array<i32>} : memref<40x128xf32, #tpu.memory_space<vmem>>, vector<16xf32>,
      tpu.vector_store %arg15[%swap3A_53, %swap3A_54], %broadcast_in_dim3A_5 {strides = array<i32>} : memref<40x128xf32, #tpu.memory_space<vmem>>, vector<16xf32>,
      %swap3A_56 = arith.index_cast %add3A_35 : i32 to index
      %swap3A_57 = arith.constant 112 : index
      %swap3A_58 = tpu.vector_load %arg15[%swap3A_56, %swap3A_57] {strides = array<i32>} : memref<40x128xf32, #tpu.memory_space<vmem>>, vector<16xf32>,
      tpu.vector_store %arg15[%swap3A_56, %swap3A_57], %broadcast_in_dim3A_5 {strides = array<i32>} : memref<40x128xf32, #tpu.memory_space<vmem>>, vector<16xf32>,
    }
    %scan3A_9 = arith.constant 40 : i32
    %scan3A_10 = arith.constant 0 : i32
    %scan3A_11 = arith.constant 640 : i32
    %scan3A_12 = arith.addi %scan3A_10, %scan3A_11 : i32
    %scan3A_13 = arith.constant 1 : i32
    scf.for %scan3A_31 = %scan3A_10 to %scan3A_12 step %scan3A_13  : i32 {
      %mul3A_32 = arith.constant 1 : i32
      %mul3A_33 = arith.muli %scan3A_31, %mul3A_32 : i32
      %add3A_34 = arith.constant 0 : i32
      %add3A_35 = arith.addi %add3A_34, %mul3A_33 : i32
      %mul3A_36 = arith.constant 16 : i32
      %mul3A_37 = arith.muli %add3A_35, %mul3A_36 : i32
      %swap3A = arith.index_cast %mul3A_37 : i32 to index
      %swap3A_38 = tpu.vector_load %arg22[%swap3A] {strides = array<i32>} : memref<10240xf32, #tpu.memory_space<vmem>>, vector<16xf32>,
      tpu.vector_store %arg22[%swap3A], %broadcast_in_dim3A_5 {strides = array<i32>} : memref<10240xf32, #tpu.memory_space<vmem>>, vector<16xf32>,
    }
    %scan3A_14 = arith.constant 640 : i32
    %scan3A_15 = arith.constant 0 : i32
    %scan3A_16 = arith.constant 16 : i32
    %scan3A_17 = arith.addi %scan3A_15, %scan3A_16 : i32
    %scan3A_18 = arith.constant 1 : i32
    scf.for %scan3A_31 = %scan3A_15 to %scan3A_17 step %scan3A_18  : i32 {
      %mul3A_32 = arith.constant 1 : i32
      %mul3A_33 = arith.muli %scan3A_31, %mul3A_32 : i32
      %add3A_34 = arith.constant 0 : i32
      %add3A_35 = arith.addi %add3A_34, %mul3A_33 : i32
      %mul3A_36 = arith.constant 40 : i32
      %mul3A_37 = arith.muli %add3A_35, %mul3A_36 : i32
      %add3A_38 = arith.addi %mul3A_4, %mul3A_37 : i32
      "tpu.region"() ({
        %run_scoped3A = tpu.sem_alloc : memref<!tpu.dma_semaphore, #tpu.memory_space<semaphore_mem>>
        %dma_start3A = arith.constant 0 : i32
        %dma_start3A_39 = tpu.memref_slice %arg23[%add3A_38, %dma_start3A] : memref<10240x128xf32, #tpu.memory_space<vmem_shared>> -> memref<40x128xf32, #tpu.memory_space<vmem_shared>>
        %dma_start3A_40 = arith.constant 0 : i32
        %dma_start3A_41 = tpu.memref_slice %arg23[%add3A_38, %dma_start3A_40] : memref<10240x128xf32, #tpu.memory_space<vmem_shared>> -> memref<40x128xf32, #tpu.memory_space<vmem_shared>>
        tpu.enqueue_dma source(%arg15 : memref<40x128xf32, #tpu.memory_space<vmem>>) target(%dma_start3A_41 : memref<40x128xf32, #tpu.memory_space<vmem_shared>>) target_semaphore(%run_scoped3A : memref<!tpu.dma_semaphore, #tpu.memory_space<semaphore_mem>>)
        %dma_wait3A = arith.constant 0 : i32
        %dma_wait3A_42 = tpu.memref_slice %arg23[%add3A_38, %dma_wait3A] : memref<10240x128xf32, #tpu.memory_space<vmem_shared>> -> memref<40x128xf32, #tpu.memory_space<vmem_shared>>
        %dma_wait3A_43 = arith.constant 0 : i32
        %dma_wait3A_44 = tpu.memref_slice %arg23[%add3A_38, %dma_wait3A_43] : memref<10240x128xf32, #tpu.memory_space<vmem_shared>> -> memref<40x128xf32, #tpu.memory_space<vmem_shared>>
        tpu.wait_dma2 semaphore(%run_scoped3A : memref<!tpu.dma_semaphore, #tpu.memory_space<semaphore_mem>>) src(%arg15 : memref<40x128xf32, #tpu.memory_space<vmem>>) dst(%dma_wait3A_44 : memref<40x128xf32, #tpu.memory_space<vmem_shared>>)
        tpu.yield
      }) : () -> ()
    }
    %scan3A_19 = arith.constant 16 : i32
    %barrier3A = arith.constant 0 : index
    tpu.barrier barrier_id(%barrier3A)
    %scan3A_20 = arith.constant 0 : i32
    %scan3A_21 = arith.constant 125 : i32
    %scan3A_22 = arith.addi %scan3A_20, %scan3A_21 : i32
    %scan3A_23 = arith.constant 1 : i32
    scf.for %scan3A_31 = %scan3A_20 to %scan3A_22 step %scan3A_23  : i32 {
      %mul3A_32 = arith.constant 1 : i32
      %mul3A_33 = arith.muli %scan3A_31, %mul3A_32 : i32
      %add3A_34 = arith.constant 0 : i32
      %add3A_35 = arith.addi %add3A_34, %mul3A_33 : i32
      %mul3A_36 = arith.constant 2 : i32
      %mul3A_37 = arith.muli %mul3A_36, %add3A_35 : i32
      %mul3A_38 = arith.constant 40 : i32
      %mul3A_39 = arith.muli %mul3A_37, %mul3A_38 : i32
      %add3A_40 = arith.addi %mul3A_2, %mul3A_39 : i32
      %add3A_41 = arith.constant 40 : i32
      %add3A_42 = arith.addi %add3A_40, %add3A_41 : i32
      "tpu.region"() ({
        %run_scoped3A_125 = tpu.sem_alloc : memref<!tpu.dma_semaphore, #tpu.memory_space<semaphore_mem>>
        %dma_start3A_126 = tpu.memref_slice %arg4[%add3A_40] : memref<320000xi32, #tpu.memory_space<hbm>> -> memref<40xi32, #tpu.memory_space<hbm>>
        %dma_start3A_127 = tpu.memref_slice %arg4[%add3A_40] : memref<320000xi32, #tpu.memory_space<hbm>> -> memref<40xi32, #tpu.memory_space<hbm>>
        tpu.enqueue_dma source(%dma_start3A_127 : memref<40xi32, #tpu.memory_space<hbm>>) target(%arg11 : memref<40xi32, #tpu.memory_space<vmem>>) target_semaphore(%run_scoped3A_125 : memref<!tpu.dma_semaphore, #tpu.memory_space<semaphore_mem>>)
        %dma_wait3A_128 = tpu.memref_slice %arg4[%add3A_40] : memref<320000xi32, #tpu.memory_space<hbm>> -> memref<40xi32, #tpu.memory_space<hbm>>
        %dma_wait3A_129 = tpu.memref_slice %arg4[%add3A_40] : memref<320000xi32, #tpu.memory_space<hbm>> -> memref<40xi32, #tpu.memory_space<hbm>>
        tpu.wait_dma2 semaphore(%run_scoped3A_125 : memref<!tpu.dma_semaphore, #tpu.memory_space<semaphore_mem>>) src(%dma_wait3A_129 : memref<40xi32, #tpu.memory_space<hbm>>) dst(%arg11 : memref<40xi32, #tpu.memory_space<vmem>>)
        tpu.yield
      }) : () -> ()
      %run_scoped3A = arith.constant 0 : i32
      "tpu.region"() ({
        %run_scoped3A_125 = tpu.sem_alloc : memref<!tpu.dma_semaphore, #tpu.memory_space<semaphore_mem>>
        %dma_start3A_126 = arith.constant 0 : i32
        %dma_start3A_127 = tpu.memref_slice %arg12[%run_scoped3A, %dma_start3A_126] : memref<1x40xi32, #tpu.memory_space<vmem>> -> memref<1x40xi32, #tpu.memory_space<vmem>>
        %dma_start3A_128 = tpu.memref_squeeze %dma_start3A_127 : memref<1x40xi32, #tpu.memory_space<vmem>> -> memref<40xi32, #tpu.memory_space<vmem>>
        %dma_start3A_129 = tpu.memref_slice %arg5[%add3A_40] : memref<320000xi32, #tpu.memory_space<hbm>> -> memref<40xi32, #tpu.memory_space<hbm>>
        %dma_start3A_130 = arith.constant 0 : i32
        %dma_start3A_131 = tpu.memref_slice %arg12[%run_scoped3A, %dma_start3A_130] : memref<1x40xi32, #tpu.memory_space<vmem>> -> memref<1x40xi32, #tpu.memory_space<vmem>>
        %dma_start3A_132 = tpu.memref_squeeze %dma_start3A_131 : memref<1x40xi32, #tpu.memory_space<vmem>> -> memref<40xi32, #tpu.memory_space<vmem>>
        %dma_start3A_133 = tpu.memref_slice %arg5[%add3A_40] : memref<320000xi32, #tpu.memory_space<hbm>> -> memref<40xi32, #tpu.memory_space<hbm>>
        tpu.enqueue_dma source(%dma_start3A_133 : memref<40xi32, #tpu.memory_space<hbm>>) target(%dma_start3A_132 : memref<40xi32, #tpu.memory_space<vmem>>) target_semaphore(%run_scoped3A_125 : memref<!tpu.dma_semaphore, #tpu.memory_space<semaphore_mem>>)
        %dma_wait3A_134 = arith.constant 0 : i32
        %dma_wait3A_135 = tpu.memref_slice %arg12[%run_scoped3A, %dma_wait3A_134] : memref<1x40xi32, #tpu.memory_space<vmem>> -> memref<1x40xi32, #tpu.memory_space<vmem>>
        %dma_wait3A_136 = tpu.memref_squeeze %dma_wait3A_135 : memref<1x40xi32, #tpu.memory_space<vmem>> -> memref<40xi32, #tpu.memory_space<vmem>>
        %dma_wait3A_137 = tpu.memref_slice %arg5[%add3A_40] : memref<320000xi32, #tpu.memory_space<hbm>> -> memref<40xi32, #tpu.memory_space<hbm>>
        %dma_wait3A_138 = arith.constant 0 : i32
        %dma_wait3A_139 = tpu.memref_slice %arg12[%run_scoped3A, %dma_wait3A_138] : memref<1x40xi32, #tpu.memory_space<vmem>> -> memref<1x40xi32, #tpu.memory_space<vmem>>
        %dma_wait3A_140 = tpu.memref_squeeze %dma_wait3A_139 : memref<1x40xi32, #tpu.memory_space<vmem>> -> memref<40xi32, #tpu.memory_space<vmem>>
        %dma_wait3A_141 = tpu.memref_slice %arg5[%add3A_40] : memref<320000xi32, #tpu.memory_space<hbm>> -> memref<40xi32, #tpu.memory_space<hbm>>
        tpu.wait_dma2 semaphore(%run_scoped3A_125 : memref<!tpu.dma_semaphore, #tpu.memory_space<semaphore_mem>>) src(%dma_wait3A_141 : memref<40xi32, #tpu.memory_space<hbm>>) dst(%dma_wait3A_140 : memref<40xi32, #tpu.memory_space<vmem>>)
        tpu.yield
      }) : () -> ()
      %dma_start3A = arith.constant 0 : i32
      %dma_start3A_43 = arith.constant 0 : i32
      %dma_start3A_44 = tpu.memref_slice %arg2[%dma_start3A, %dma_start3A_43] : memref<10000x128xf32, #tpu.memory_space<hbm>> -> memref<10000x128xf32, #tpu.memory_space<hbm>>
      tpu.enqueue_indirect_dma source(%dma_start3A_44 : memref<10000x128xf32, #tpu.memory_space<hbm>>) target(%arg15 : memref<40x128xf32, #tpu.memory_space<vmem>>) offsets(%arg11 : memref<40xi32, #tpu.memory_space<vmem>>) semaphore(%arg24 : memref<!tpu.dma_semaphore, #tpu.memory_space<semaphore_mem>>)
      %dma_start3A_45 = arith.constant 0 : i32
      %dma_start3A_46 = arith.constant 0 : i32
      %dma_start3A_47 = tpu.memref_slice %arg12[%dma_start3A_45, %dma_start3A_46] : memref<1x40xi32, #tpu.memory_space<vmem>> -> memref<1x40xi32, #tpu.memory_space<vmem>>
      %dma_start3A_48 = tpu.memref_squeeze %dma_start3A_47 : memref<1x40xi32, #tpu.memory_space<vmem>> -> memref<40xi32, #tpu.memory_space<vmem>>
      %dma_start3A_49 = arith.constant 0 : i32
      %dma_start3A_50 = arith.constant 0 : i32
      %dma_start3A_51 = tpu.memref_slice %arg3[%dma_start3A_49, %dma_start3A_50] : memref<10000x128xf32, #tpu.memory_space<hbm>> -> memref<10000x128xf32, #tpu.memory_space<hbm>>
      tpu.enqueue_indirect_dma source(%dma_start3A_51 : memref<10000x128xf32, #tpu.memory_space<hbm>>) target(%arg16 : memref<40x128xf32, #tpu.memory_space<vmem>>) offsets(%dma_start3A_48 : memref<40xi32, #tpu.memory_space<vmem>>) semaphore(%arg25 : memref<!tpu.dma_semaphore, #tpu.memory_space<semaphore_mem>>)
      "tpu.region"() ({
        %run_scoped3A_125 = tpu.sem_alloc : memref<!tpu.dma_semaphore, #tpu.memory_space<semaphore_mem>>
        %dma_start3A_126 = tpu.memref_slice %arg4[%add3A_42] : memref<320000xi32, #tpu.memory_space<hbm>> -> memref<40xi32, #tpu.memory_space<hbm>>
        %dma_start3A_127 = tpu.memref_slice %arg4[%add3A_42] : memref<320000xi32, #tpu.memory_space<hbm>> -> memref<40xi32, #tpu.memory_space<hbm>>
        tpu.enqueue_dma source(%dma_start3A_127 : memref<40xi32, #tpu.memory_space<hbm>>) target(%arg13 : memref<40xi32, #tpu.memory_space<vmem>>) target_semaphore(%run_scoped3A_125 : memref<!tpu.dma_semaphore, #tpu.memory_space<semaphore_mem>>)
        %dma_wait3A_128 = tpu.memref_slice %arg4[%add3A_42] : memref<320000xi32, #tpu.memory_space<hbm>> -> memref<40xi32, #tpu.memory_space<hbm>>
        %dma_wait3A_129 = tpu.memref_slice %arg4[%add3A_42] : memref<320000xi32, #tpu.memory_space<hbm>> -> memref<40xi32, #tpu.memory_space<hbm>>
        tpu.wait_dma2 semaphore(%run_scoped3A_125 : memref<!tpu.dma_semaphore, #tpu.memory_space<semaphore_mem>>) src(%dma_wait3A_129 : memref<40xi32, #tpu.memory_space<hbm>>) dst(%arg13 : memref<40xi32, #tpu.memory_space<vmem>>)
        tpu.yield
      }) : () -> ()
      %run_scoped3A_52 = arith.constant 0 : i32
      "tpu.region"() ({
        %run_scoped3A_125 = tpu.sem_alloc : memref<!tpu.dma_semaphore, #tpu.memory_space<semaphore_mem>>
        %dma_start3A_126 = arith.constant 0 : i32
        %dma_start3A_127 = tpu.memref_slice %arg14[%run_scoped3A_52, %dma_start3A_126] : memref<1x40xi32, #tpu.memory_space<vmem>> -> memref<1x40xi32, #tpu.memory_space<vmem>>
        %dma_start3A_128 = tpu.memref_squeeze %dma_start3A_127 : memref<1x40xi32, #tpu.memory_space<vmem>> -> memref<40xi32, #tpu.memory_space<vmem>>
        %dma_start3A_129 = tpu.memref_slice %arg5[%add3A_42] : memref<320000xi32, #tpu.memory_space<hbm>> -> memref<40xi32, #tpu.memory_space<hbm>>
        %dma_start3A_130 = arith.constant 0 : i32
        %dma_start3A_131 = tpu.memref_slice %arg14[%run_scoped3A_52, %dma_start3A_130] : memref<1x40xi32, #tpu.memory_space<vmem>> -> memref<1x40xi32, #tpu.memory_space<vmem>>
        %dma_start3A_132 = tpu.memref_squeeze %dma_start3A_131 : memref<1x40xi32, #tpu.memory_space<vmem>> -> memref<40xi32, #tpu.memory_space<vmem>>
        %dma_start3A_133 = tpu.memref_slice %arg5[%add3A_42] : memref<320000xi32, #tpu.memory_space<hbm>> -> memref<40xi32, #tpu.memory_space<hbm>>
        tpu.enqueue_dma source(%dma_start3A_133 : memref<40xi32, #tpu.memory_space<hbm>>) target(%dma_start3A_132 : memref<40xi32, #tpu.memory_space<vmem>>) target_semaphore(%run_scoped3A_125 : memref<!tpu.dma_semaphore, #tpu.memory_space<semaphore_mem>>)
        %dma_wait3A_134 = arith.constant 0 : i32
        %dma_wait3A_135 = tpu.memref_slice %arg14[%run_scoped3A_52, %dma_wait3A_134] : memref<1x40xi32, #tpu.memory_space<vmem>> -> memref<1x40xi32, #tpu.memory_space<vmem>>
        %dma_wait3A_136 = tpu.memref_squeeze %dma_wait3A_135 : memref<1x40xi32, #tpu.memory_space<vmem>> -> memref<40xi32, #tpu.memory_space<vmem>>
        %dma_wait3A_137 = tpu.memref_slice %arg5[%add3A_42] : memref<320000xi32, #tpu.memory_space<hbm>> -> memref<40xi32, #tpu.memory_space<hbm>>
        %dma_wait3A_138 = arith.constant 0 : i32
        %dma_wait3A_139 = tpu.memref_slice %arg14[%run_scoped3A_52, %dma_wait3A_138] : memref<1x40xi32, #tpu.memory_space<vmem>> -> memref<1x40xi32, #tpu.memory_space<vmem>>
        %dma_wait3A_140 = tpu.memref_squeeze %dma_wait3A_139 : memref<1x40xi32, #tpu.memory_space<vmem>> -> memref<40xi32, #tpu.memory_space<vmem>>
        %dma_wait3A_141 = tpu.memref_slice %arg5[%add3A_42] : memref<320000xi32, #tpu.memory_space<hbm>> -> memref<40xi32, #tpu.memory_space<hbm>>
        tpu.wait_dma2 semaphore(%run_scoped3A_125 : memref<!tpu.dma_semaphore, #tpu.memory_space<semaphore_mem>>) src(%dma_wait3A_141 : memref<40xi32, #tpu.memory_space<hbm>>) dst(%dma_wait3A_140 : memref<40xi32, #tpu.memory_space<vmem>>)
        tpu.yield
      }) : () -> ()
      %dma_start3A_53 = arith.constant 0 : i32
      %dma_start3A_54 = arith.constant 0 : i32
      %dma_start3A_55 = tpu.memref_slice %arg2[%dma_start3A_53, %dma_start3A_54] : memref<10000x128xf32, #tpu.memory_space<hbm>> -> memref<10000x128xf32, #tpu.memory_space<hbm>>
      tpu.enqueue_indirect_dma source(%dma_start3A_55 : memref<10000x128xf32, #tpu.memory_space<hbm>>) target(%arg17 : memref<40x128xf32, #tpu.memory_space<vmem>>) offsets(%arg13 : memref<40xi32, #tpu.memory_space<vmem>>) semaphore(%arg26 : memref<!tpu.dma_semaphore, #tpu.memory_space<semaphore_mem>>)
      %dma_start3A_56 = arith.constant 0 : i32
      %dma_start3A_57 = arith.constant 0 : i32
      %dma_start3A_58 = tpu.memref_slice %arg14[%dma_start3A_56, %dma_start3A_57] : memref<1x40xi32, #tpu.memory_space<vmem>> -> memref<1x40xi32, #tpu.memory_space<vmem>>
      %dma_start3A_59 = tpu.memref_squeeze %dma_start3A_58 : memref<1x40xi32, #tpu.memory_space<vmem>> -> memref<40xi32, #tpu.memory_space<vmem>>
      %dma_start3A_60 = arith.constant 0 : i32
      %dma_start3A_61 = arith.constant 0 : i32
      %dma_start3A_62 = tpu.memref_slice %arg3[%dma_start3A_60, %dma_start3A_61] : memref<10000x128xf32, #tpu.memory_space<hbm>> -> memref<10000x128xf32, #tpu.memory_space<hbm>>
      tpu.enqueue_indirect_dma source(%dma_start3A_62 : memref<10000x128xf32, #tpu.memory_space<hbm>>) target(%arg18 : memref<40x128xf32, #tpu.memory_space<vmem>>) offsets(%dma_start3A_59 : memref<40xi32, #tpu.memory_space<vmem>>) semaphore(%arg27 : memref<!tpu.dma_semaphore, #tpu.memory_space<semaphore_mem>>)
      %dma_wait3A = arith.constant 0 : i32
      %dma_wait3A_63 = arith.constant 0 : i32
      %dma_wait3A_64 = tpu.memref_slice %arg2[%dma_wait3A, %dma_wait3A_63] : memref<10000x128xf32, #tpu.memory_space<hbm>> -> memref<10000x128xf32, #tpu.memory_space<hbm>>
      tpu.wait_indirect_dma semaphore(%arg24 : memref<!tpu.dma_semaphore, #tpu.memory_space<semaphore_mem>>) src(%dma_wait3A_64 : memref<10000x128xf32, #tpu.memory_space<hbm>>) dst(%arg15 : memref<40x128xf32, #tpu.memory_space<vmem>>)
      %dma_wait3A_65 = arith.constant 0 : i32
      %dma_wait3A_66 = arith.constant 0 : i32
      %dma_wait3A_67 = tpu.memref_slice %arg12[%dma_wait3A_65, %dma_wait3A_66] : memref<1x40xi32, #tpu.memory_space<vmem>> -> memref<1x40xi32, #tpu.memory_space<vmem>>
      %dma_wait3A_68 = tpu.memref_squeeze %dma_wait3A_67 : memref<1x40xi32, #tpu.memory_space<vmem>> -> memref<40xi32, #tpu.memory_space<vmem>>
      %dma_wait3A_69 = arith.constant 0 : i32
      %dma_wait3A_70 = arith.constant 0 : i32
      %dma_wait3A_71 = tpu.memref_slice %arg3[%dma_wait3A_69, %dma_wait3A_70] : memref<10000x128xf32, #tpu.memory_space<hbm>> -> memref<10000x128xf32, #tpu.memory_space<hbm>>
      tpu.wait_indirect_dma semaphore(%arg25 : memref<!tpu.dma_semaphore, #tpu.memory_space<semaphore_mem>>) src(%dma_wait3A_71 : memref<10000x128xf32, #tpu.memory_space<hbm>>) dst(%arg16 : memref<40x128xf32, #tpu.memory_space<vmem>>)
      %scan3A_72 = arith.constant 0 : i32
      %scan3A_73 = arith.constant 40 : i32
      %scan3A_74 = arith.addi %scan3A_72, %scan3A_73 : i32
      %scan3A_75 = arith.constant 1 : i32
      scf.for %scan3A_125 = %scan3A_72 to %scan3A_74 step %scan3A_75  : i32 {
        %mul3A_126 = arith.constant 1 : i32
        %mul3A_127 = arith.muli %scan3A_125, %mul3A_126 : i32
        %add3A_128 = arith.constant 0 : i32
        %add3A_129 = arith.addi %add3A_128, %mul3A_127 : i32
        %broadcast_in_dim3A_130 = arith.constant 0.000000e+00 : f32
        %broadcast_in_dim3A_131 = vector.broadcast %broadcast_in_dim3A_130 : f32 to vector<16xf32>
        %get3A_132 = arith.index_cast %add3A_129 : i32 to index
        %get3A_133 = arith.constant 0 : index
        %get3A_134 = tpu.vector_load %arg15[%get3A_132, %get3A_133] {strides = array<i32>} : memref<40x128xf32, #tpu.memory_space<vmem>>, vector<16xf32>,
        %get3A_135 = arith.index_cast %add3A_129 : i32 to index
        %get3A_136 = arith.constant 0 : index
        %get3A_137 = tpu.vector_load %arg16[%get3A_135, %get3A_136] {strides = array<i32>} : memref<40x128xf32, #tpu.memory_space<vmem>>, vector<16xf32>,
        %add3A_138 = arith.addf %get3A_134, %get3A_137 : vector<16xf32>
        %max3A = arith.constant 0.000000e+00 : f32
        %max3A_139 = vector.broadcast %max3A : f32 to vector<16xf32>
        %max3A_140 = arith.maximumf %add3A_138, %max3A_139 : vector<16xf32>
        %get3A_141 = arith.constant 0 : index
        %get3A_142 = tpu.vector_load %arg20[%get3A_141] {strides = array<i32>} : memref<128xf32, #tpu.memory_space<vmem>>, vector<16xf32>,
        %mul3A_143 = arith.mulf %max3A_140, %get3A_142 : vector<16xf32>
        %add3A_144 = arith.addf %broadcast_in_dim3A_131, %mul3A_143 : vector<16xf32>
        %get3A_145 = arith.index_cast %add3A_129 : i32 to index
        %get3A_146 = arith.constant 16 : index
        %get3A_147 = tpu.vector_load %arg15[%get3A_145, %get3A_146] {strides = array<i32>} : memref<40x128xf32, #tpu.memory_space<vmem>>, vector<16xf32>,
        %get3A_148 = arith.index_cast %add3A_129 : i32 to index
        %get3A_149 = arith.constant 16 : index
        %get3A_150 = tpu.vector_load %arg16[%get3A_148, %get3A_149] {strides = array<i32>} : memref<40x128xf32, #tpu.memory_space<vmem>>, vector<16xf32>,
        %add3A_151 = arith.addf %get3A_147, %get3A_150 : vector<16xf32>
        %max3A_152 = arith.constant 0.000000e+00 : f32
        %max3A_153 = vector.broadcast %max3A_152 : f32 to vector<16xf32>
        %max3A_154 = arith.maximumf %add3A_151, %max3A_153 : vector<16xf32>
        %get3A_155 = arith.constant 16 : index
        %get3A_156 = tpu.vector_load %arg20[%get3A_155] {strides = array<i32>} : memref<128xf32, #tpu.memory_space<vmem>>, vector<16xf32>,
        %mul3A_157 = arith.mulf %max3A_154, %get3A_156 : vector<16xf32>
        %add3A_158 = arith.addf %add3A_144, %mul3A_157 : vector<16xf32>
        %get3A_159 = arith.index_cast %add3A_129 : i32 to index
        %get3A_160 = arith.constant 32 : index
        %get3A_161 = tpu.vector_load %arg15[%get3A_159, %get3A_160] {strides = array<i32>} : memref<40x128xf32, #tpu.memory_space<vmem>>, vector<16xf32>,
        %get3A_162 = arith.index_cast %add3A_129 : i32 to index
        %get3A_163 = arith.constant 32 : index
        %get3A_164 = tpu.vector_load %arg16[%get3A_162, %get3A_163] {strides = array<i32>} : memref<40x128xf32, #tpu.memory_space<vmem>>, vector<16xf32>,
        %add3A_165 = arith.addf %get3A_161, %get3A_164 : vector<16xf32>
        %max3A_166 = arith.constant 0.000000e+00 : f32
        %max3A_167 = vector.broadcast %max3A_166 : f32 to vector<16xf32>
        %max3A_168 = arith.maximumf %add3A_165, %max3A_167 : vector<16xf32>
        %get3A_169 = arith.constant 32 : index
        %get3A_170 = tpu.vector_load %arg20[%get3A_169] {strides = array<i32>} : memref<128xf32, #tpu.memory_space<vmem>>, vector<16xf32>,
        %mul3A_171 = arith.mulf %max3A_168, %get3A_170 : vector<16xf32>
        %add3A_172 = arith.addf %add3A_158, %mul3A_171 : vector<16xf32>
        %get3A_173 = arith.index_cast %add3A_129 : i32 to index
        %get3A_174 = arith.constant 48 : index
        %get3A_175 = tpu.vector_load %arg15[%get3A_173, %get3A_174] {strides = array<i32>} : memref<40x128xf32, #tpu.memory_space<vmem>>, vector<16xf32>,
        %get3A_176 = arith.index_cast %add3A_129 : i32 to index
        %get3A_177 = arith.constant 48 : index
        %get3A_178 = tpu.vector_load %arg16[%get3A_176, %get3A_177] {strides = array<i32>} : memref<40x128xf32, #tpu.memory_space<vmem>>, vector<16xf32>,
        %add3A_179 = arith.addf %get3A_175, %get3A_178 : vector<16xf32>
        %max3A_180 = arith.constant 0.000000e+00 : f32
        %max3A_181 = vector.broadcast %max3A_180 : f32 to vector<16xf32>
        %max3A_182 = arith.maximumf %add3A_179, %max3A_181 : vector<16xf32>
        %get3A_183 = arith.constant 48 : index
        %get3A_184 = tpu.vector_load %arg20[%get3A_183] {strides = array<i32>} : memref<128xf32, #tpu.memory_space<vmem>>, vector<16xf32>,
        %mul3A_185 = arith.mulf %max3A_182, %get3A_184 : vector<16xf32>
        %add3A_186 = arith.addf %add3A_172, %mul3A_185 : vector<16xf32>
        %get3A_187 = arith.index_cast %add3A_129 : i32 to index
        %get3A_188 = arith.constant 64 : index
        %get3A_189 = tpu.vector_load %arg15[%get3A_187, %get3A_188] {strides = array<i32>} : memref<40x128xf32, #tpu.memory_space<vmem>>, vector<16xf32>,
        %get3A_190 = arith.index_cast %add3A_129 : i32 to index
        %get3A_191 = arith.constant 64 : index
        %get3A_192 = tpu.vector_load %arg16[%get3A_190, %get3A_191] {strides = array<i32>} : memref<40x128xf32, #tpu.memory_space<vmem>>, vector<16xf32>,
        %add3A_193 = arith.addf %get3A_189, %get3A_192 : vector<16xf32>
        %max3A_194 = arith.constant 0.000000e+00 : f32
        %max3A_195 = vector.broadcast %max3A_194 : f32 to vector<16xf32>
        %max3A_196 = arith.maximumf %add3A_193, %max3A_195 : vector<16xf32>
        %get3A_197 = arith.constant 64 : index
        %get3A_198 = tpu.vector_load %arg20[%get3A_197] {strides = array<i32>} : memref<128xf32, #tpu.memory_space<vmem>>, vector<16xf32>,
        %mul3A_199 = arith.mulf %max3A_196, %get3A_198 : vector<16xf32>
        %add3A_200 = arith.addf %add3A_186, %mul3A_199 : vector<16xf32>
        %get3A_201 = arith.index_cast %add3A_129 : i32 to index
        %get3A_202 = arith.constant 80 : index
        %get3A_203 = tpu.vector_load %arg15[%get3A_201, %get3A_202] {strides = array<i32>} : memref<40x128xf32, #tpu.memory_space<vmem>>, vector<16xf32>,
        %get3A_204 = arith.index_cast %add3A_129 : i32 to index
        %get3A_205 = arith.constant 80 : index
        %get3A_206 = tpu.vector_load %arg16[%get3A_204, %get3A_205] {strides = array<i32>} : memref<40x128xf32, #tpu.memory_space<vmem>>, vector<16xf32>,
        %add3A_207 = arith.addf %get3A_203, %get3A_206 : vector<16xf32>
        %max3A_208 = arith.constant 0.000000e+00 : f32
        %max3A_209 = vector.broadcast %max3A_208 : f32 to vector<16xf32>
        %max3A_210 = arith.maximumf %add3A_207, %max3A_209 : vector<16xf32>
        %get3A_211 = arith.constant 80 : index
        %get3A_212 = tpu.vector_load %arg20[%get3A_211] {strides = array<i32>} : memref<128xf32, #tpu.memory_space<vmem>>, vector<16xf32>,
        %mul3A_213 = arith.mulf %max3A_210, %get3A_212 : vector<16xf32>
        %add3A_214 = arith.addf %add3A_200, %mul3A_213 : vector<16xf32>
        %get3A_215 = arith.index_cast %add3A_129 : i32 to index
        %get3A_216 = arith.constant 96 : index
        %get3A_217 = tpu.vector_load %arg15[%get3A_215, %get3A_216] {strides = array<i32>} : memref<40x128xf32, #tpu.memory_space<vmem>>, vector<16xf32>,
        %get3A_218 = arith.index_cast %add3A_129 : i32 to index
        %get3A_219 = arith.constant 96 : index
        %get3A_220 = tpu.vector_load %arg16[%get3A_218, %get3A_219] {strides = array<i32>} : memref<40x128xf32, #tpu.memory_space<vmem>>, vector<16xf32>,
        %add3A_221 = arith.addf %get3A_217, %get3A_220 : vector<16xf32>
        %max3A_222 = arith.constant 0.000000e+00 : f32
        %max3A_223 = vector.broadcast %max3A_222 : f32 to vector<16xf32>
        %max3A_224 = arith.maximumf %add3A_221, %max3A_223 : vector<16xf32>
        %get3A_225 = arith.constant 96 : index
        %get3A_226 = tpu.vector_load %arg20[%get3A_225] {strides = array<i32>} : memref<128xf32, #tpu.memory_space<vmem>>, vector<16xf32>,
        %mul3A_227 = arith.mulf %max3A_224, %get3A_226 : vector<16xf32>
        %add3A_228 = arith.addf %add3A_214, %mul3A_227 : vector<16xf32>
        %get3A_229 = arith.index_cast %add3A_129 : i32 to index
        %get3A_230 = arith.constant 112 : index
        %get3A_231 = tpu.vector_load %arg15[%get3A_229, %get3A_230] {strides = array<i32>} : memref<40x128xf32, #tpu.memory_space<vmem>>, vector<16xf32>,
        %get3A_232 = arith.index_cast %add3A_129 : i32 to index
        %get3A_233 = arith.constant 112 : index
        %get3A_234 = tpu.vector_load %arg16[%get3A_232, %get3A_233] {strides = array<i32>} : memref<40x128xf32, #tpu.memory_space<vmem>>, vector<16xf32>,
        %add3A_235 = arith.addf %get3A_231, %get3A_234 : vector<16xf32>
        %max3A_236 = arith.constant 0.000000e+00 : f32
        %max3A_237 = vector.broadcast %max3A_236 : f32 to vector<16xf32>
        %max3A_238 = arith.maximumf %add3A_235, %max3A_237 : vector<16xf32>
        %get3A_239 = arith.constant 112 : index
        %get3A_240 = tpu.vector_load %arg20[%get3A_239] {strides = array<i32>} : memref<128xf32, #tpu.memory_space<vmem>>, vector<16xf32>,
        %mul3A_241 = arith.mulf %max3A_238, %get3A_240 : vector<16xf32>
        %add3A_242 = arith.addf %add3A_228, %mul3A_241 : vector<16xf32>
        %swap3A = arith.index_cast %add3A_129 : i32 to index
        %swap3A_243 = arith.constant 0 : index
        %swap3A_244 = tpu.vector_load %arg19[%swap3A, %swap3A_243] {strides = array<i32>} : memref<40x16xf32, #tpu.memory_space<vmem>>, vector<16xf32>,
        tpu.vector_store %arg19[%swap3A, %swap3A_243], %add3A_242 {strides = array<i32>} : memref<40x16xf32, #tpu.memory_space<vmem>>, vector<16xf32>,
      }
      %scan3A_76 = arith.constant 40 : i32
      "tpu.region"() ({
        %run_scoped3A_125 = tpu.sem_alloc : memref<!tpu.dma_semaphore, #tpu.memory_space<semaphore_mem>>
        %dma_start3A_126 = arith.constant 0 : i32
        %dma_start3A_127 = tpu.memref_slice %arg8[%add3A_40, %dma_start3A_126] : memref<320000x16xf32, #tpu.memory_space<hbm>> -> memref<40x16xf32, #tpu.memory_space<hbm>>
        %dma_start3A_128 = arith.constant 0 : i32
        %dma_start3A_129 = tpu.memref_slice %arg8[%add3A_40, %dma_start3A_128] : memref<320000x16xf32, #tpu.memory_space<hbm>> -> memref<40x16xf32, #tpu.memory_space<hbm>>
        tpu.enqueue_dma source(%arg19 : memref<40x16xf32, #tpu.memory_space<vmem>>) target(%dma_start3A_129 : memref<40x16xf32, #tpu.memory_space<hbm>>) target_semaphore(%run_scoped3A_125 : memref<!tpu.dma_semaphore, #tpu.memory_space<semaphore_mem>>)
        %dma_wait3A_130 = arith.constant 0 : i32
        %dma_wait3A_131 = tpu.memref_slice %arg8[%add3A_40, %dma_wait3A_130] : memref<320000x16xf32, #tpu.memory_space<hbm>> -> memref<40x16xf32, #tpu.memory_space<hbm>>
        %dma_wait3A_132 = arith.constant 0 : i32
        %dma_wait3A_133 = tpu.memref_slice %arg8[%add3A_40, %dma_wait3A_132] : memref<320000x16xf32, #tpu.memory_space<hbm>> -> memref<40x16xf32, #tpu.memory_space<hbm>>
        tpu.wait_dma2 semaphore(%run_scoped3A_125 : memref<!tpu.dma_semaphore, #tpu.memory_space<semaphore_mem>>) src(%arg19 : memref<40x16xf32, #tpu.memory_space<vmem>>) dst(%dma_wait3A_133 : memref<40x16xf32, #tpu.memory_space<hbm>>)
        tpu.yield
      }) : () -> ()
      %run_scoped3A_77 = arith.constant 0 : i32
      "tpu.region"() ({
        %run_scoped3A_125 = tpu.sem_alloc : memref<!tpu.dma_semaphore, #tpu.memory_space<semaphore_mem>>
        %dma_start3A_126 = arith.constant 0 : i32
        %dma_start3A_127 = tpu.memref_slice %arg12[%run_scoped3A_77, %dma_start3A_126] : memref<1x40xi32, #tpu.memory_space<vmem>> -> memref<1x40xi32, #tpu.memory_space<vmem>>
        %dma_start3A_128 = tpu.memref_squeeze %dma_start3A_127 : memref<1x40xi32, #tpu.memory_space<vmem>> -> memref<40xi32, #tpu.memory_space<vmem>>
        %dma_start3A_129 = arith.constant 0 : i32
        %dma_start3A_130 = arith.constant 0 : i32
        %dma_start3A_131 = tpu.memref_slice %arg23[%dma_start3A_129, %dma_start3A_130] : memref<10240x128xf32, #tpu.memory_space<vmem_shared>> -> memref<10240x128xf32, #tpu.memory_space<vmem_shared>>
        tpu.enqueue_indirect_dma source(%arg15 : memref<40x128xf32, #tpu.memory_space<vmem>>) target(%dma_start3A_131 : memref<10240x128xf32, #tpu.memory_space<vmem_shared>>) offsets(%dma_start3A_128 : memref<40xi32, #tpu.memory_space<vmem>>) semaphore(%run_scoped3A_125 : memref<!tpu.dma_semaphore, #tpu.memory_space<semaphore_mem>>) {add = true}
        %dma_wait3A_132 = arith.constant 0 : i32
        %dma_wait3A_133 = tpu.memref_slice %arg12[%run_scoped3A_77, %dma_wait3A_132] : memref<1x40xi32, #tpu.memory_space<vmem>> -> memref<1x40xi32, #tpu.memory_space<vmem>>
        %dma_wait3A_134 = tpu.memref_squeeze %dma_wait3A_133 : memref<1x40xi32, #tpu.memory_space<vmem>> -> memref<40xi32, #tpu.memory_space<vmem>>
        %dma_wait3A_135 = arith.constant 0 : i32
        %dma_wait3A_136 = arith.constant 0 : i32
        %dma_wait3A_137 = tpu.memref_slice %arg23[%dma_wait3A_135, %dma_wait3A_136] : memref<10240x128xf32, #tpu.memory_space<vmem_shared>> -> memref<10240x128xf32, #tpu.memory_space<vmem_shared>>
        tpu.wait_indirect_dma semaphore(%run_scoped3A_125 : memref<!tpu.dma_semaphore, #tpu.memory_space<semaphore_mem>>) src(%arg15 : memref<40x128xf32, #tpu.memory_space<vmem>>) dst(%dma_wait3A_137 : memref<10240x128xf32, #tpu.memory_space<vmem_shared>>)
        tpu.yield
      }) : () -> ()
      %broadcast_in_dim3A_78 = arith.constant 1.000000e+00 : f32
      %broadcast_in_dim3A_79 = vector.broadcast %broadcast_in_dim3A_78 : f32 to vector<16xf32>
      %get3A = arith.constant 0 : i32
      %get3A_80 = arith.index_cast %get3A : i32 to index
      %get3A_81 = arith.constant 0 : index
      %get3A_82 = tpu.vector_load %arg12[%get3A_80, %get3A_81] {strides = array<i32>} : memref<1x40xi32, #tpu.memory_space<vmem>>, vector<16xi32>,
      tpu.vector_store_idx %arg22[%get3A_82], %broadcast_in_dim3A_79 {add = true} : memref<10240xf32, #tpu.memory_space<vmem>>[vector<16xi32>], vector<16xf32>,
      %get3A_83 = arith.constant 0 : i32
      %get3A_84 = arith.index_cast %get3A_83 : i32 to index
      %get3A_85 = arith.constant 16 : index
      %get3A_86 = tpu.vector_load %arg12[%get3A_84, %get3A_85] {strides = array<i32>} : memref<1x40xi32, #tpu.memory_space<vmem>>, vector<16xi32>,
      tpu.vector_store_idx %arg22[%get3A_86], %broadcast_in_dim3A_79 {add = true} : memref<10240xf32, #tpu.memory_space<vmem>>[vector<16xi32>], vector<16xf32>,
      %get3A_87 = arith.constant 0 : i32
      %get3A_88 = arith.index_cast %get3A_87 : i32 to index
      %get3A_89 = arith.constant 24 : index
      %get3A_90 = tpu.vector_load %arg12[%get3A_88, %get3A_89] {strides = array<i32>} : memref<1x40xi32, #tpu.memory_space<vmem>>, vector<16xi32>,
      %get3A_91 = arith.constant 0 : index
      %get3A_92 = tpu.vector_load %arg21[%get3A_91] {strides = array<i32>} : memref<16xf32, #tpu.memory_space<vmem>>, vector<16xf32>,
      tpu.vector_store_idx %arg22[%get3A_90], %get3A_92 {add = true} : memref<10240xf32, #tpu.memory_space<vmem>>[vector<16xi32>], vector<16xf32>,
      %dma_wait3A_93 = arith.constant 0 : i32
      %dma_wait3A_94 = arith.constant 0 : i32
      %dma_wait3A_95 = tpu.memref_slice %arg2[%dma_wait3A_93, %dma_wait3A_94] : memref<10000x128xf32, #tpu.memory_space<hbm>> -> memref<10000x128xf32, #tpu.memory_space<hbm>>
      tpu.wait_indirect_dma semaphore(%arg26 : memref<!tpu.dma_semaphore, #tpu.memory_space<semaphore_mem>>) src(%dma_wait3A_95 : memref<10000x128xf32, #tpu.memory_space<hbm>>) dst(%arg17 : memref<40x128xf32, #tpu.memory_space<vmem>>)
      %dma_wait3A_96 = arith.constant 0 : i32
      %dma_wait3A_97 = arith.constant 0 : i32
      %dma_wait3A_98 = tpu.memref_slice %arg14[%dma_wait3A_96, %dma_wait3A_97] : memref<1x40xi32, #tpu.memory_space<vmem>> -> memref<1x40xi32, #tpu.memory_space<vmem>>
      %dma_wait3A_99 = tpu.memref_squeeze %dma_wait3A_98 : memref<1x40xi32, #tpu.memory_space<vmem>> -> memref<40xi32, #tpu.memory_space<vmem>>
      %dma_wait3A_100 = arith.constant 0 : i32
      %dma_wait3A_101 = arith.constant 0 : i32
      %dma_wait3A_102 = tpu.memref_slice %arg3[%dma_wait3A_100, %dma_wait3A_101] : memref<10000x128xf32, #tpu.memory_space<hbm>> -> memref<10000x128xf32, #tpu.memory_space<hbm>>
      tpu.wait_indirect_dma semaphore(%arg27 : memref<!tpu.dma_semaphore, #tpu.memory_space<semaphore_mem>>) src(%dma_wait3A_102 : memref<10000x128xf32, #tpu.memory_space<hbm>>) dst(%arg18 : memref<40x128xf32, #tpu.memory_space<vmem>>)
      %scan3A_103 = arith.constant 0 : i32
      %scan3A_104 = arith.constant 40 : i32
      %scan3A_105 = arith.addi %scan3A_103, %scan3A_104 : i32
      %scan3A_106 = arith.constant 1 : i32
      scf.for %scan3A_125 = %scan3A_103 to %scan3A_105 step %scan3A_106  : i32 {
        %mul3A_126 = arith.constant 1 : i32
        %mul3A_127 = arith.muli %scan3A_125, %mul3A_126 : i32
        %add3A_128 = arith.constant 0 : i32
        %add3A_129 = arith.addi %add3A_128, %mul3A_127 : i32
        %broadcast_in_dim3A_130 = arith.constant 0.000000e+00 : f32
        %broadcast_in_dim3A_131 = vector.broadcast %broadcast_in_dim3A_130 : f32 to vector<16xf32>
        %get3A_132 = arith.index_cast %add3A_129 : i32 to index
        %get3A_133 = arith.constant 0 : index
        %get3A_134 = tpu.vector_load %arg17[%get3A_132, %get3A_133] {strides = array<i32>} : memref<40x128xf32, #tpu.memory_space<vmem>>, vector<16xf32>,
        %get3A_135 = arith.index_cast %add3A_129 : i32 to index
        %get3A_136 = arith.constant 0 : index
        %get3A_137 = tpu.vector_load %arg18[%get3A_135, %get3A_136] {strides = array<i32>} : memref<40x128xf32, #tpu.memory_space<vmem>>, vector<16xf32>,
        %add3A_138 = arith.addf %get3A_134, %get3A_137 : vector<16xf32>
        %max3A = arith.constant 0.000000e+00 : f32
        %max3A_139 = vector.broadcast %max3A : f32 to vector<16xf32>
        %max3A_140 = arith.maximumf %add3A_138, %max3A_139 : vector<16xf32>
        %get3A_141 = arith.constant 0 : index
        %get3A_142 = tpu.vector_load %arg20[%get3A_141] {strides = array<i32>} : memref<128xf32, #tpu.memory_space<vmem>>, vector<16xf32>,
        %mul3A_143 = arith.mulf %max3A_140, %get3A_142 : vector<16xf32>
        %add3A_144 = arith.addf %broadcast_in_dim3A_131, %mul3A_143 : vector<16xf32>
        %get3A_145 = arith.index_cast %add3A_129 : i32 to index
        %get3A_146 = arith.constant 16 : index
        %get3A_147 = tpu.vector_load %arg17[%get3A_145, %get3A_146] {strides = array<i32>} : memref<40x128xf32, #tpu.memory_space<vmem>>, vector<16xf32>,
        %get3A_148 = arith.index_cast %add3A_129 : i32 to index
        %get3A_149 = arith.constant 16 : index
        %get3A_150 = tpu.vector_load %arg18[%get3A_148, %get3A_149] {strides = array<i32>} : memref<40x128xf32, #tpu.memory_space<vmem>>, vector<16xf32>,
        %add3A_151 = arith.addf %get3A_147, %get3A_150 : vector<16xf32>
        %max3A_152 = arith.constant 0.000000e+00 : f32
        %max3A_153 = vector.broadcast %max3A_152 : f32 to vector<16xf32>
        %max3A_154 = arith.maximumf %add3A_151, %max3A_153 : vector<16xf32>
        %get3A_155 = arith.constant 16 : index
        %get3A_156 = tpu.vector_load %arg20[%get3A_155] {strides = array<i32>} : memref<128xf32, #tpu.memory_space<vmem>>, vector<16xf32>,
        %mul3A_157 = arith.mulf %max3A_154, %get3A_156 : vector<16xf32>
        %add3A_158 = arith.addf %add3A_144, %mul3A_157 : vector<16xf32>
        %get3A_159 = arith.index_cast %add3A_129 : i32 to index
        %get3A_160 = arith.constant 32 : index
        %get3A_161 = tpu.vector_load %arg17[%get3A_159, %get3A_160] {strides = array<i32>} : memref<40x128xf32, #tpu.memory_space<vmem>>, vector<16xf32>,
        %get3A_162 = arith.index_cast %add3A_129 : i32 to index
        %get3A_163 = arith.constant 32 : index
        %get3A_164 = tpu.vector_load %arg18[%get3A_162, %get3A_163] {strides = array<i32>} : memref<40x128xf32, #tpu.memory_space<vmem>>, vector<16xf32>,
        %add3A_165 = arith.addf %get3A_161, %get3A_164 : vector<16xf32>
        %max3A_166 = arith.constant 0.000000e+00 : f32
        %max3A_167 = vector.broadcast %max3A_166 : f32 to vector<16xf32>
        %max3A_168 = arith.maximumf %add3A_165, %max3A_167 : vector<16xf32>
        %get3A_169 = arith.constant 32 : index
        %get3A_170 = tpu.vector_load %arg20[%get3A_169] {strides = array<i32>} : memref<128xf32, #tpu.memory_space<vmem>>, vector<16xf32>,
        %mul3A_171 = arith.mulf %max3A_168, %get3A_170 : vector<16xf32>
        %add3A_172 = arith.addf %add3A_158, %mul3A_171 : vector<16xf32>
        %get3A_173 = arith.index_cast %add3A_129 : i32 to index
        %get3A_174 = arith.constant 48 : index
        %get3A_175 = tpu.vector_load %arg17[%get3A_173, %get3A_174] {strides = array<i32>} : memref<40x128xf32, #tpu.memory_space<vmem>>, vector<16xf32>,
        %get3A_176 = arith.index_cast %add3A_129 : i32 to index
        %get3A_177 = arith.constant 48 : index
        %get3A_178 = tpu.vector_load %arg18[%get3A_176, %get3A_177] {strides = array<i32>} : memref<40x128xf32, #tpu.memory_space<vmem>>, vector<16xf32>,
        %add3A_179 = arith.addf %get3A_175, %get3A_178 : vector<16xf32>
        %max3A_180 = arith.constant 0.000000e+00 : f32
        %max3A_181 = vector.broadcast %max3A_180 : f32 to vector<16xf32>
        %max3A_182 = arith.maximumf %add3A_179, %max3A_181 : vector<16xf32>
        %get3A_183 = arith.constant 48 : index
        %get3A_184 = tpu.vector_load %arg20[%get3A_183] {strides = array<i32>} : memref<128xf32, #tpu.memory_space<vmem>>, vector<16xf32>,
        %mul3A_185 = arith.mulf %max3A_182, %get3A_184 : vector<16xf32>
        %add3A_186 = arith.addf %add3A_172, %mul3A_185 : vector<16xf32>
        %get3A_187 = arith.index_cast %add3A_129 : i32 to index
        %get3A_188 = arith.constant 64 : index
        %get3A_189 = tpu.vector_load %arg17[%get3A_187, %get3A_188] {strides = array<i32>} : memref<40x128xf32, #tpu.memory_space<vmem>>, vector<16xf32>,
        %get3A_190 = arith.index_cast %add3A_129 : i32 to index
        %get3A_191 = arith.constant 64 : index
        %get3A_192 = tpu.vector_load %arg18[%get3A_190, %get3A_191] {strides = array<i32>} : memref<40x128xf32, #tpu.memory_space<vmem>>, vector<16xf32>,
        %add3A_193 = arith.addf %get3A_189, %get3A_192 : vector<16xf32>
        %max3A_194 = arith.constant 0.000000e+00 : f32
        %max3A_195 = vector.broadcast %max3A_194 : f32 to vector<16xf32>
        %max3A_196 = arith.maximumf %add3A_193, %max3A_195 : vector<16xf32>
        %get3A_197 = arith.constant 64 : index
        %get3A_198 = tpu.vector_load %arg20[%get3A_197] {strides = array<i32>} : memref<128xf32, #tpu.memory_space<vmem>>, vector<16xf32>,
        %mul3A_199 = arith.mulf %max3A_196, %get3A_198 : vector<16xf32>
        %add3A_200 = arith.addf %add3A_186, %mul3A_199 : vector<16xf32>
        %get3A_201 = arith.index_cast %add3A_129 : i32 to index
        %get3A_202 = arith.constant 80 : index
        %get3A_203 = tpu.vector_load %arg17[%get3A_201, %get3A_202] {strides = array<i32>} : memref<40x128xf32, #tpu.memory_space<vmem>>, vector<16xf32>,
        %get3A_204 = arith.index_cast %add3A_129 : i32 to index
        %get3A_205 = arith.constant 80 : index
        %get3A_206 = tpu.vector_load %arg18[%get3A_204, %get3A_205] {strides = array<i32>} : memref<40x128xf32, #tpu.memory_space<vmem>>, vector<16xf32>,
        %add3A_207 = arith.addf %get3A_203, %get3A_206 : vector<16xf32>
        %max3A_208 = arith.constant 0.000000e+00 : f32
        %max3A_209 = vector.broadcast %max3A_208 : f32 to vector<16xf32>
        %max3A_210 = arith.maximumf %add3A_207, %max3A_209 : vector<16xf32>
        %get3A_211 = arith.constant 80 : index
        %get3A_212 = tpu.vector_load %arg20[%get3A_211] {strides = array<i32>} : memref<128xf32, #tpu.memory_space<vmem>>, vector<16xf32>,
        %mul3A_213 = arith.mulf %max3A_210, %get3A_212 : vector<16xf32>
        %add3A_214 = arith.addf %add3A_200, %mul3A_213 : vector<16xf32>
        %get3A_215 = arith.index_cast %add3A_129 : i32 to index
        %get3A_216 = arith.constant 96 : index
        %get3A_217 = tpu.vector_load %arg17[%get3A_215, %get3A_216] {strides = array<i32>} : memref<40x128xf32, #tpu.memory_space<vmem>>, vector<16xf32>,
        %get3A_218 = arith.index_cast %add3A_129 : i32 to index
        %get3A_219 = arith.constant 96 : index
        %get3A_220 = tpu.vector_load %arg18[%get3A_218, %get3A_219] {strides = array<i32>} : memref<40x128xf32, #tpu.memory_space<vmem>>, vector<16xf32>,
        %add3A_221 = arith.addf %get3A_217, %get3A_220 : vector<16xf32>
        %max3A_222 = arith.constant 0.000000e+00 : f32
        %max3A_223 = vector.broadcast %max3A_222 : f32 to vector<16xf32>
        %max3A_224 = arith.maximumf %add3A_221, %max3A_223 : vector<16xf32>
        %get3A_225 = arith.constant 96 : index
        %get3A_226 = tpu.vector_load %arg20[%get3A_225] {strides = array<i32>} : memref<128xf32, #tpu.memory_space<vmem>>, vector<16xf32>,
        %mul3A_227 = arith.mulf %max3A_224, %get3A_226 : vector<16xf32>
        %add3A_228 = arith.addf %add3A_214, %mul3A_227 : vector<16xf32>
        %get3A_229 = arith.index_cast %add3A_129 : i32 to index
        %get3A_230 = arith.constant 112 : index
        %get3A_231 = tpu.vector_load %arg17[%get3A_229, %get3A_230] {strides = array<i32>} : memref<40x128xf32, #tpu.memory_space<vmem>>, vector<16xf32>,
        %get3A_232 = arith.index_cast %add3A_129 : i32 to index
        %get3A_233 = arith.constant 112 : index
        %get3A_234 = tpu.vector_load %arg18[%get3A_232, %get3A_233] {strides = array<i32>} : memref<40x128xf32, #tpu.memory_space<vmem>>, vector<16xf32>,
        %add3A_235 = arith.addf %get3A_231, %get3A_234 : vector<16xf32>
        %max3A_236 = arith.constant 0.000000e+00 : f32
        %max3A_237 = vector.broadcast %max3A_236 : f32 to vector<16xf32>
        %max3A_238 = arith.maximumf %add3A_235, %max3A_237 : vector<16xf32>
        %get3A_239 = arith.constant 112 : index
        %get3A_240 = tpu.vector_load %arg20[%get3A_239] {strides = array<i32>} : memref<128xf32, #tpu.memory_space<vmem>>, vector<16xf32>,
        %mul3A_241 = arith.mulf %max3A_238, %get3A_240 : vector<16xf32>
        %add3A_242 = arith.addf %add3A_228, %mul3A_241 : vector<16xf32>
        %swap3A = arith.index_cast %add3A_129 : i32 to index
        %swap3A_243 = arith.constant 0 : index
        %swap3A_244 = tpu.vector_load %arg19[%swap3A, %swap3A_243] {strides = array<i32>} : memref<40x16xf32, #tpu.memory_space<vmem>>, vector<16xf32>,
        tpu.vector_store %arg19[%swap3A, %swap3A_243], %add3A_242 {strides = array<i32>} : memref<40x16xf32, #tpu.memory_space<vmem>>, vector<16xf32>,
      }
      %scan3A_107 = arith.constant 40 : i32
      "tpu.region"() ({
        %run_scoped3A_125 = tpu.sem_alloc : memref<!tpu.dma_semaphore, #tpu.memory_space<semaphore_mem>>
        %dma_start3A_126 = arith.constant 0 : i32
        %dma_start3A_127 = tpu.memref_slice %arg8[%add3A_42, %dma_start3A_126] : memref<320000x16xf32, #tpu.memory_space<hbm>> -> memref<40x16xf32, #tpu.memory_space<hbm>>
        %dma_start3A_128 = arith.constant 0 : i32
        %dma_start3A_129 = tpu.memref_slice %arg8[%add3A_42, %dma_start3A_128] : memref<320000x16xf32, #tpu.memory_space<hbm>> -> memref<40x16xf32, #tpu.memory_space<hbm>>
        tpu.enqueue_dma source(%arg19 : memref<40x16xf32, #tpu.memory_space<vmem>>) target(%dma_start3A_129 : memref<40x16xf32, #tpu.memory_space<hbm>>) target_semaphore(%run_scoped3A_125 : memref<!tpu.dma_semaphore, #tpu.memory_space<semaphore_mem>>)
        %dma_wait3A_130 = arith.constant 0 : i32
        %dma_wait3A_131 = tpu.memref_slice %arg8[%add3A_42, %dma_wait3A_130] : memref<320000x16xf32, #tpu.memory_space<hbm>> -> memref<40x16xf32, #tpu.memory_space<hbm>>
        %dma_wait3A_132 = arith.constant 0 : i32
        %dma_wait3A_133 = tpu.memref_slice %arg8[%add3A_42, %dma_wait3A_132] : memref<320000x16xf32, #tpu.memory_space<hbm>> -> memref<40x16xf32, #tpu.memory_space<hbm>>
        tpu.wait_dma2 semaphore(%run_scoped3A_125 : memref<!tpu.dma_semaphore, #tpu.memory_space<semaphore_mem>>) src(%arg19 : memref<40x16xf32, #tpu.memory_space<vmem>>) dst(%dma_wait3A_133 : memref<40x16xf32, #tpu.memory_space<hbm>>)
        tpu.yield
      }) : () -> ()
      %run_scoped3A_108 = arith.constant 0 : i32
      "tpu.region"() ({
        %run_scoped3A_125 = tpu.sem_alloc : memref<!tpu.dma_semaphore, #tpu.memory_space<semaphore_mem>>
        %dma_start3A_126 = arith.constant 0 : i32
        %dma_start3A_127 = tpu.memref_slice %arg14[%run_scoped3A_108, %dma_start3A_126] : memref<1x40xi32, #tpu.memory_space<vmem>> -> memref<1x40xi32, #tpu.memory_space<vmem>>
        %dma_start3A_128 = tpu.memref_squeeze %dma_start3A_127 : memref<1x40xi32, #tpu.memory_space<vmem>> -> memref<40xi32, #tpu.memory_space<vmem>>
        %dma_start3A_129 = arith.constant 0 : i32
        %dma_start3A_130 = arith.constant 0 : i32
        %dma_start3A_131 = tpu.memref_slice %arg23[%dma_start3A_129, %dma_start3A_130] : memref<10240x128xf32, #tpu.memory_space<vmem_shared>> -> memref<10240x128xf32, #tpu.memory_space<vmem_shared>>
        tpu.enqueue_indirect_dma source(%arg17 : memref<40x128xf32, #tpu.memory_space<vmem>>) target(%dma_start3A_131 : memref<10240x128xf32, #tpu.memory_space<vmem_shared>>) offsets(%dma_start3A_128 : memref<40xi32, #tpu.memory_space<vmem>>) semaphore(%run_scoped3A_125 : memref<!tpu.dma_semaphore, #tpu.memory_space<semaphore_mem>>) {add = true}
        %dma_wait3A_132 = arith.constant 0 : i32
        %dma_wait3A_133 = tpu.memref_slice %arg14[%run_scoped3A_108, %dma_wait3A_132] : memref<1x40xi32, #tpu.memory_space<vmem>> -> memref<1x40xi32, #tpu.memory_space<vmem>>
        %dma_wait3A_134 = tpu.memref_squeeze %dma_wait3A_133 : memref<1x40xi32, #tpu.memory_space<vmem>> -> memref<40xi32, #tpu.memory_space<vmem>>
        %dma_wait3A_135 = arith.constant 0 : i32
        %dma_wait3A_136 = arith.constant 0 : i32
        %dma_wait3A_137 = tpu.memref_slice %arg23[%dma_wait3A_135, %dma_wait3A_136] : memref<10240x128xf32, #tpu.memory_space<vmem_shared>> -> memref<10240x128xf32, #tpu.memory_space<vmem_shared>>
        tpu.wait_indirect_dma semaphore(%run_scoped3A_125 : memref<!tpu.dma_semaphore, #tpu.memory_space<semaphore_mem>>) src(%arg17 : memref<40x128xf32, #tpu.memory_space<vmem>>) dst(%dma_wait3A_137 : memref<10240x128xf32, #tpu.memory_space<vmem_shared>>)
        tpu.yield
      }) : () -> ()
      %broadcast_in_dim3A_109 = arith.constant 1.000000e+00 : f32
      %broadcast_in_dim3A_110 = vector.broadcast %broadcast_in_dim3A_109 : f32 to vector<16xf32>
      %get3A_111 = arith.constant 0 : i32
      %get3A_112 = arith.index_cast %get3A_111 : i32 to index
      %get3A_113 = arith.constant 0 : index
      %get3A_114 = tpu.vector_load %arg14[%get3A_112, %get3A_113] {strides = array<i32>} : memref<1x40xi32, #tpu.memory_space<vmem>>, vector<16xi32>,
      tpu.vector_store_idx %arg22[%get3A_114], %broadcast_in_dim3A_110 {add = true} : memref<10240xf32, #tpu.memory_space<vmem>>[vector<16xi32>], vector<16xf32>,
      %get3A_115 = arith.constant 0 : i32
      %get3A_116 = arith.index_cast %get3A_115 : i32 to index
      %get3A_117 = arith.constant 16 : index
      %get3A_118 = tpu.vector_load %arg14[%get3A_116, %get3A_117] {strides = array<i32>} : memref<1x40xi32, #tpu.memory_space<vmem>>, vector<16xi32>,
      tpu.vector_store_idx %arg22[%get3A_118], %broadcast_in_dim3A_110 {add = true} : memref<10240xf32, #tpu.memory_space<vmem>>[vector<16xi32>], vector<16xf32>,
      %get3A_119 = arith.constant 0 : i32
      %get3A_120 = arith.index_cast %get3A_119 : i32 to index
      %get3A_121 = arith.constant 24 : index
      %get3A_122 = tpu.vector_load %arg14[%get3A_120, %get3A_121] {strides = array<i32>} : memref<1x40xi32, #tpu.memory_space<vmem>>, vector<16xi32>,
      %get3A_123 = arith.constant 0 : index
      %get3A_124 = tpu.vector_load %arg21[%get3A_123] {strides = array<i32>} : memref<16xf32, #tpu.memory_space<vmem>>, vector<16xf32>,
      tpu.vector_store_idx %arg22[%get3A_122], %get3A_124 {add = true} : memref<10240xf32, #tpu.memory_space<vmem>>[vector<16xi32>], vector<16xf32>,
    }
    %scan3A_24 = arith.constant 125 : i32
    %barrier3A_25 = arith.constant 0 : index
    tpu.barrier barrier_id(%barrier3A_25)
    %scan3A_26 = arith.constant 0 : i32
    %scan3A_27 = arith.constant 16 : i32
    %scan3A_28 = arith.addi %scan3A_26, %scan3A_27 : i32
    %scan3A_29 = arith.constant 1 : i32
    scf.for %scan3A_31 = %scan3A_26 to %scan3A_28 step %scan3A_29  : i32 {
      %mul3A_32 = arith.constant 1 : i32
      %mul3A_33 = arith.muli %scan3A_31, %mul3A_32 : i32
      %add3A_34 = arith.constant 0 : i32
      %add3A_35 = arith.addi %add3A_34, %mul3A_33 : i32
      %mul3A_36 = arith.constant 40 : i32
      %mul3A_37 = arith.muli %add3A_35, %mul3A_36 : i32
      %add3A_38 = arith.addi %mul3A_4, %mul3A_37 : i32
      "tpu.region"() ({
        %run_scoped3A = tpu.sem_alloc : memref<!tpu.dma_semaphore, #tpu.memory_space<semaphore_mem>>
        %dma_start3A = arith.constant 0 : i32
        %dma_start3A_39 = tpu.memref_slice %arg23[%add3A_38, %dma_start3A] : memref<10240x128xf32, #tpu.memory_space<vmem_shared>> -> memref<40x128xf32, #tpu.memory_space<vmem_shared>>
        %dma_start3A_40 = arith.constant 0 : i32
        %dma_start3A_41 = tpu.memref_slice %arg23[%add3A_38, %dma_start3A_40] : memref<10240x128xf32, #tpu.memory_space<vmem_shared>> -> memref<40x128xf32, #tpu.memory_space<vmem_shared>>
        tpu.enqueue_dma source(%dma_start3A_41 : memref<40x128xf32, #tpu.memory_space<vmem_shared>>) target(%arg15 : memref<40x128xf32, #tpu.memory_space<vmem>>) target_semaphore(%run_scoped3A : memref<!tpu.dma_semaphore, #tpu.memory_space<semaphore_mem>>)
        %dma_wait3A = arith.constant 0 : i32
        %dma_wait3A_42 = tpu.memref_slice %arg23[%add3A_38, %dma_wait3A] : memref<10240x128xf32, #tpu.memory_space<vmem_shared>> -> memref<40x128xf32, #tpu.memory_space<vmem_shared>>
        %dma_wait3A_43 = arith.constant 0 : i32
        %dma_wait3A_44 = tpu.memref_slice %arg23[%add3A_38, %dma_wait3A_43] : memref<10240x128xf32, #tpu.memory_space<vmem_shared>> -> memref<40x128xf32, #tpu.memory_space<vmem_shared>>
        tpu.wait_dma2 semaphore(%run_scoped3A : memref<!tpu.dma_semaphore, #tpu.memory_space<semaphore_mem>>) src(%dma_wait3A_44 : memref<40x128xf32, #tpu.memory_space<vmem_shared>>) dst(%arg15 : memref<40x128xf32, #tpu.memory_space<vmem>>)
        tpu.yield
      }) : () -> ()
      "tpu.region"() ({
        %run_scoped3A = tpu.sem_alloc : memref<!tpu.dma_semaphore, #tpu.memory_space<semaphore_mem>>
        %dma_start3A = arith.constant 0 : i32
        %dma_start3A_39 = tpu.memref_slice %arg9[%arg0, %add3A_38, %dma_start3A] : memref<2x10240x128xf32, #tpu.memory_space<hbm>> -> memref<1x40x128xf32, #tpu.memory_space<hbm>>
        %dma_start3A_40 = tpu.memref_squeeze %dma_start3A_39 : memref<1x40x128xf32, #tpu.memory_space<hbm>> -> memref<40x128xf32, #tpu.memory_space<hbm>>
        %dma_start3A_41 = arith.constant 0 : i32
        %dma_start3A_42 = tpu.memref_slice %arg9[%arg0, %add3A_38, %dma_start3A_41] : memref<2x10240x128xf32, #tpu.memory_space<hbm>> -> memref<1x40x128xf32, #tpu.memory_space<hbm>>
        %dma_start3A_43 = tpu.memref_squeeze %dma_start3A_42 : memref<1x40x128xf32, #tpu.memory_space<hbm>> -> memref<40x128xf32, #tpu.memory_space<hbm>>
        tpu.enqueue_dma source(%arg15 : memref<40x128xf32, #tpu.memory_space<vmem>>) target(%dma_start3A_43 : memref<40x128xf32, #tpu.memory_space<hbm>>) target_semaphore(%run_scoped3A : memref<!tpu.dma_semaphore, #tpu.memory_space<semaphore_mem>>)
        %dma_wait3A = arith.constant 0 : i32
        %dma_wait3A_44 = tpu.memref_slice %arg9[%arg0, %add3A_38, %dma_wait3A] : memref<2x10240x128xf32, #tpu.memory_space<hbm>> -> memref<1x40x128xf32, #tpu.memory_space<hbm>>
        %dma_wait3A_45 = tpu.memref_squeeze %dma_wait3A_44 : memref<1x40x128xf32, #tpu.memory_space<hbm>> -> memref<40x128xf32, #tpu.memory_space<hbm>>
        %dma_wait3A_46 = arith.constant 0 : i32
        %dma_wait3A_47 = tpu.memref_slice %arg9[%arg0, %add3A_38, %dma_wait3A_46] : memref<2x10240x128xf32, #tpu.memory_space<hbm>> -> memref<1x40x128xf32, #tpu.memory_space<hbm>>
        %dma_wait3A_48 = tpu.memref_squeeze %dma_wait3A_47 : memref<1x40x128xf32, #tpu.memory_space<hbm>> -> memref<40x128xf32, #tpu.memory_space<hbm>>
        tpu.wait_dma2 semaphore(%run_scoped3A : memref<!tpu.dma_semaphore, #tpu.memory_space<semaphore_mem>>) src(%arg15 : memref<40x128xf32, #tpu.memory_space<vmem>>) dst(%dma_wait3A_48 : memref<40x128xf32, #tpu.memory_space<hbm>>)
        tpu.yield
      }) : () -> ()
    }
    %scan3A_30 = arith.constant 16 : i32
    "tpu.region"() ({
      %run_scoped3A = tpu.sem_alloc : memref<!tpu.dma_semaphore, #tpu.memory_space<semaphore_mem>>
      %dma_start3A = arith.constant 0 : i32
      %dma_start3A_31 = tpu.memref_slice %arg10[%arg0, %arg1, %dma_start3A] : memref<2x16x10240xf32, #tpu.memory_space<hbm>> -> memref<1x1x10240xf32, #tpu.memory_space<hbm>>
      %dma_start3A_32 = tpu.memref_squeeze %dma_start3A_31 : memref<1x1x10240xf32, #tpu.memory_space<hbm>> -> memref<10240xf32, #tpu.memory_space<hbm>>
      %dma_start3A_33 = arith.constant 0 : i32
      %dma_start3A_34 = tpu.memref_slice %arg10[%arg0, %arg1, %dma_start3A_33] : memref<2x16x10240xf32, #tpu.memory_space<hbm>> -> memref<1x1x10240xf32, #tpu.memory_space<hbm>>
      %dma_start3A_35 = tpu.memref_squeeze %dma_start3A_34 : memref<1x1x10240xf32, #tpu.memory_space<hbm>> -> memref<10240xf32, #tpu.memory_space<hbm>>
      tpu.enqueue_dma source(%arg22 : memref<10240xf32, #tpu.memory_space<vmem>>) target(%dma_start3A_35 : memref<10240xf32, #tpu.memory_space<hbm>>) target_semaphore(%run_scoped3A : memref<!tpu.dma_semaphore, #tpu.memory_space<semaphore_mem>>)
      %dma_wait3A = arith.constant 0 : i32
      %dma_wait3A_36 = tpu.memref_slice %arg10[%arg0, %arg1, %dma_wait3A] : memref<2x16x10240xf32, #tpu.memory_space<hbm>> -> memref<1x1x10240xf32, #tpu.memory_space<hbm>>
      %dma_wait3A_37 = tpu.memref_squeeze %dma_wait3A_36 : memref<1x1x10240xf32, #tpu.memory_space<hbm>> -> memref<10240xf32, #tpu.memory_space<hbm>>
      %dma_wait3A_38 = arith.constant 0 : i32
      %dma_wait3A_39 = tpu.memref_slice %arg10[%arg0, %arg1, %dma_wait3A_38] : memref<2x16x10240xf32, #tpu.memory_space<hbm>> -> memref<1x1x10240xf32, #tpu.memory_space<hbm>>
      %dma_wait3A_40 = tpu.memref_squeeze %dma_wait3A_39 : memref<1x1x10240xf32, #tpu.memory_space<hbm>> -> memref<10240xf32, #tpu.memory_space<hbm>>
      tpu.wait_dma2 semaphore(%run_scoped3A : memref<!tpu.dma_semaphore, #tpu.memory_space<semaphore_mem>>) src(%arg22 : memref<10240xf32, #tpu.memory_space<vmem>>) dst(%dma_wait3A_40 : memref<10240xf32, #tpu.memory_space<hbm>>)
      tpu.yield
    }) : () -> ()
    return
  }
}

#map = affine_map<(d0, d1) -> (0, 0)>
#map1 = affine_map<(d0, d1) -> (0)>
module attributes {stable_mosaic.version = 14 : i64} {
  func.func @k(%arg0: i32, %arg1: i32, %arg2: memref<10000x128xf32, #tpu.memory_space<hbm>>, %arg3: memref<10000x128xf32, #tpu.memory_space<hbm>>, %arg4: memref<320000xi32, #tpu.memory_space<hbm>>, %arg5: memref<320000xi32, #tpu.memory_space<hbm>>, %arg6: memref<128xf32, #tpu.memory_space<hbm>>, %arg7: memref<320000x16xf32, #tpu.memory_space<hbm>>, %arg8: memref<40xi32, #tpu.memory_space<vmem>>, %arg9: memref<40xi32, #tpu.memory_space<vmem>>, %arg10: memref<40xi32, #tpu.memory_space<vmem>>, %arg11: memref<40xi32, #tpu.memory_space<vmem>>, %arg12: memref<40x128xf32, #tpu.memory_space<vmem>>, %arg13: memref<40x128xf32, #tpu.memory_space<vmem>>, %arg14: memref<40x128xf32, #tpu.memory_space<vmem>>, %arg15: memref<40x128xf32, #tpu.memory_space<vmem>>, %arg16: memref<40x16xf32, #tpu.memory_space<vmem>>, %arg17: memref<128xf32, #tpu.memory_space<vmem>>, %arg18: memref<!tpu.dma_semaphore, #tpu.memory_space<semaphore_mem>>, %arg19: memref<!tpu.dma_semaphore, #tpu.memory_space<semaphore_mem>>, %arg20: memref<!tpu.dma_semaphore, #tpu.memory_space<semaphore_mem>>, %arg21: memref<!tpu.dma_semaphore, #tpu.memory_space<semaphore_mem>>) attributes {dimension_semantics = [#tpu.dimension_semantics<core_parallel>, #tpu.dimension_semantics<subcore_parallel>], iteration_bounds = array<i64: 2, 16>, scalar_prefetch = 0 : i64, scratch_operands = 14 : i64, tpu.core_type = #tpu.core_type<sc_vector_subcore>, window_params = [{transform_indices = #map}, {transform_indices = #map}, {transform_indices = #map1}, {transform_indices = #map1}, {transform_indices = #map1}, {transform_indices = #map}]} {
    %mul3A = arith.constant 2 : i32
    %mul3A_0 = arith.muli %arg1, %mul3A : i32
    %add3A = arith.addi %mul3A_0, %arg0 : i32
    %mul3A_1 = arith.constant 10000 : i32
    %mul3A_2 = arith.muli %add3A, %mul3A_1 : i32
    "tpu.region"() ({
      %run_scoped3A = tpu.sem_alloc : memref<!tpu.dma_semaphore, #tpu.memory_space<semaphore_mem>>
      tpu.enqueue_dma source(%arg6 : memref<128xf32, #tpu.memory_space<hbm>>) target(%arg17 : memref<128xf32, #tpu.memory_space<vmem>>) target_semaphore(%run_scoped3A : memref<!tpu.dma_semaphore, #tpu.memory_space<semaphore_mem>>)
      tpu.wait_dma2 semaphore(%run_scoped3A : memref<!tpu.dma_semaphore, #tpu.memory_space<semaphore_mem>>) src(%arg6 : memref<128xf32, #tpu.memory_space<hbm>>) dst(%arg17 : memref<128xf32, #tpu.memory_space<vmem>>)
      tpu.yield
    }) : () -> ()
    %scan3A = arith.constant 0 : i32
    %scan3A_3 = arith.constant 125 : i32
    %scan3A_4 = arith.addi %scan3A, %scan3A_3 : i32
    %scan3A_5 = arith.constant 1 : i32
    scf.for %scan3A_7 = %scan3A to %scan3A_4 step %scan3A_5  : i32 {
      %mul3A_8 = arith.constant 1 : i32
      %mul3A_9 = arith.muli %scan3A_7, %mul3A_8 : i32
      %add3A_10 = arith.constant 0 : i32
      %add3A_11 = arith.addi %add3A_10, %mul3A_9 : i32
      %mul3A_12 = arith.constant 2 : i32
      %mul3A_13 = arith.muli %mul3A_12, %add3A_11 : i32
      %mul3A_14 = arith.constant 40 : i32
      %mul3A_15 = arith.muli %mul3A_13, %mul3A_14 : i32
      %add3A_16 = arith.addi %mul3A_2, %mul3A_15 : i32
      %add3A_17 = arith.constant 40 : i32
      %add3A_18 = arith.addi %add3A_16, %add3A_17 : i32
      "tpu.region"() ({
        %run_scoped3A = tpu.sem_alloc : memref<!tpu.dma_semaphore, #tpu.memory_space<semaphore_mem>>
        %dma_start3A_51 = tpu.memref_slice %arg4[%add3A_16] : memref<320000xi32, #tpu.memory_space<hbm>> -> memref<40xi32, #tpu.memory_space<hbm>>
        %dma_start3A_52 = tpu.memref_slice %arg4[%add3A_16] : memref<320000xi32, #tpu.memory_space<hbm>> -> memref<40xi32, #tpu.memory_space<hbm>>
        tpu.enqueue_dma source(%dma_start3A_52 : memref<40xi32, #tpu.memory_space<hbm>>) target(%arg8 : memref<40xi32, #tpu.memory_space<vmem>>) target_semaphore(%run_scoped3A : memref<!tpu.dma_semaphore, #tpu.memory_space<semaphore_mem>>)
        %dma_wait3A_53 = tpu.memref_slice %arg4[%add3A_16] : memref<320000xi32, #tpu.memory_space<hbm>> -> memref<40xi32, #tpu.memory_space<hbm>>
        %dma_wait3A_54 = tpu.memref_slice %arg4[%add3A_16] : memref<320000xi32, #tpu.memory_space<hbm>> -> memref<40xi32, #tpu.memory_space<hbm>>
        tpu.wait_dma2 semaphore(%run_scoped3A : memref<!tpu.dma_semaphore, #tpu.memory_space<semaphore_mem>>) src(%dma_wait3A_54 : memref<40xi32, #tpu.memory_space<hbm>>) dst(%arg8 : memref<40xi32, #tpu.memory_space<vmem>>)
        tpu.yield
      }) : () -> ()
      "tpu.region"() ({
        %run_scoped3A = tpu.sem_alloc : memref<!tpu.dma_semaphore, #tpu.memory_space<semaphore_mem>>
        %dma_start3A_51 = tpu.memref_slice %arg5[%add3A_16] : memref<320000xi32, #tpu.memory_space<hbm>> -> memref<40xi32, #tpu.memory_space<hbm>>
        %dma_start3A_52 = tpu.memref_slice %arg5[%add3A_16] : memref<320000xi32, #tpu.memory_space<hbm>> -> memref<40xi32, #tpu.memory_space<hbm>>
        tpu.enqueue_dma source(%dma_start3A_52 : memref<40xi32, #tpu.memory_space<hbm>>) target(%arg9 : memref<40xi32, #tpu.memory_space<vmem>>) target_semaphore(%run_scoped3A : memref<!tpu.dma_semaphore, #tpu.memory_space<semaphore_mem>>)
        %dma_wait3A_53 = tpu.memref_slice %arg5[%add3A_16] : memref<320000xi32, #tpu.memory_space<hbm>> -> memref<40xi32, #tpu.memory_space<hbm>>
        %dma_wait3A_54 = tpu.memref_slice %arg5[%add3A_16] : memref<320000xi32, #tpu.memory_space<hbm>> -> memref<40xi32, #tpu.memory_space<hbm>>
        tpu.wait_dma2 semaphore(%run_scoped3A : memref<!tpu.dma_semaphore, #tpu.memory_space<semaphore_mem>>) src(%dma_wait3A_54 : memref<40xi32, #tpu.memory_space<hbm>>) dst(%arg9 : memref<40xi32, #tpu.memory_space<vmem>>)
        tpu.yield
      }) : () -> ()
      %dma_start3A = arith.constant 0 : i32
      %dma_start3A_19 = arith.constant 0 : i32
      %dma_start3A_20 = tpu.memref_slice %arg2[%dma_start3A, %dma_start3A_19] : memref<10000x128xf32, #tpu.memory_space<hbm>> -> memref<10000x128xf32, #tpu.memory_space<hbm>>
      tpu.enqueue_indirect_dma source(%dma_start3A_20 : memref<10000x128xf32, #tpu.memory_space<hbm>>) target(%arg12 : memref<40x128xf32, #tpu.memory_space<vmem>>) offsets(%arg8 : memref<40xi32, #tpu.memory_space<vmem>>) semaphore(%arg18 : memref<!tpu.dma_semaphore, #tpu.memory_space<semaphore_mem>>)
      %dma_start3A_21 = arith.constant 0 : i32
      %dma_start3A_22 = arith.constant 0 : i32
      %dma_start3A_23 = tpu.memref_slice %arg3[%dma_start3A_21, %dma_start3A_22] : memref<10000x128xf32, #tpu.memory_space<hbm>> -> memref<10000x128xf32, #tpu.memory_space<hbm>>
      tpu.enqueue_indirect_dma source(%dma_start3A_23 : memref<10000x128xf32, #tpu.memory_space<hbm>>) target(%arg13 : memref<40x128xf32, #tpu.memory_space<vmem>>) offsets(%arg9 : memref<40xi32, #tpu.memory_space<vmem>>) semaphore(%arg19 : memref<!tpu.dma_semaphore, #tpu.memory_space<semaphore_mem>>)
      "tpu.region"() ({
        %run_scoped3A = tpu.sem_alloc : memref<!tpu.dma_semaphore, #tpu.memory_space<semaphore_mem>>
        %dma_start3A_51 = tpu.memref_slice %arg4[%add3A_18] : memref<320000xi32, #tpu.memory_space<hbm>> -> memref<40xi32, #tpu.memory_space<hbm>>
        %dma_start3A_52 = tpu.memref_slice %arg4[%add3A_18] : memref<320000xi32, #tpu.memory_space<hbm>> -> memref<40xi32, #tpu.memory_space<hbm>>
        tpu.enqueue_dma source(%dma_start3A_52 : memref<40xi32, #tpu.memory_space<hbm>>) target(%arg10 : memref<40xi32, #tpu.memory_space<vmem>>) target_semaphore(%run_scoped3A : memref<!tpu.dma_semaphore, #tpu.memory_space<semaphore_mem>>)
        %dma_wait3A_53 = tpu.memref_slice %arg4[%add3A_18] : memref<320000xi32, #tpu.memory_space<hbm>> -> memref<40xi32, #tpu.memory_space<hbm>>
        %dma_wait3A_54 = tpu.memref_slice %arg4[%add3A_18] : memref<320000xi32, #tpu.memory_space<hbm>> -> memref<40xi32, #tpu.memory_space<hbm>>
        tpu.wait_dma2 semaphore(%run_scoped3A : memref<!tpu.dma_semaphore, #tpu.memory_space<semaphore_mem>>) src(%dma_wait3A_54 : memref<40xi32, #tpu.memory_space<hbm>>) dst(%arg10 : memref<40xi32, #tpu.memory_space<vmem>>)
        tpu.yield
      }) : () -> ()
      "tpu.region"() ({
        %run_scoped3A = tpu.sem_alloc : memref<!tpu.dma_semaphore, #tpu.memory_space<semaphore_mem>>
        %dma_start3A_51 = tpu.memref_slice %arg5[%add3A_18] : memref<320000xi32, #tpu.memory_space<hbm>> -> memref<40xi32, #tpu.memory_space<hbm>>
        %dma_start3A_52 = tpu.memref_slice %arg5[%add3A_18] : memref<320000xi32, #tpu.memory_space<hbm>> -> memref<40xi32, #tpu.memory_space<hbm>>
        tpu.enqueue_dma source(%dma_start3A_52 : memref<40xi32, #tpu.memory_space<hbm>>) target(%arg11 : memref<40xi32, #tpu.memory_space<vmem>>) target_semaphore(%run_scoped3A : memref<!tpu.dma_semaphore, #tpu.memory_space<semaphore_mem>>)
        %dma_wait3A_53 = tpu.memref_slice %arg5[%add3A_18] : memref<320000xi32, #tpu.memory_space<hbm>> -> memref<40xi32, #tpu.memory_space<hbm>>
        %dma_wait3A_54 = tpu.memref_slice %arg5[%add3A_18] : memref<320000xi32, #tpu.memory_space<hbm>> -> memref<40xi32, #tpu.memory_space<hbm>>
        tpu.wait_dma2 semaphore(%run_scoped3A : memref<!tpu.dma_semaphore, #tpu.memory_space<semaphore_mem>>) src(%dma_wait3A_54 : memref<40xi32, #tpu.memory_space<hbm>>) dst(%arg11 : memref<40xi32, #tpu.memory_space<vmem>>)
        tpu.yield
      }) : () -> ()
      %dma_start3A_24 = arith.constant 0 : i32
      %dma_start3A_25 = arith.constant 0 : i32
      %dma_start3A_26 = tpu.memref_slice %arg2[%dma_start3A_24, %dma_start3A_25] : memref<10000x128xf32, #tpu.memory_space<hbm>> -> memref<10000x128xf32, #tpu.memory_space<hbm>>
      tpu.enqueue_indirect_dma source(%dma_start3A_26 : memref<10000x128xf32, #tpu.memory_space<hbm>>) target(%arg14 : memref<40x128xf32, #tpu.memory_space<vmem>>) offsets(%arg10 : memref<40xi32, #tpu.memory_space<vmem>>) semaphore(%arg20 : memref<!tpu.dma_semaphore, #tpu.memory_space<semaphore_mem>>)
      %dma_start3A_27 = arith.constant 0 : i32
      %dma_start3A_28 = arith.constant 0 : i32
      %dma_start3A_29 = tpu.memref_slice %arg3[%dma_start3A_27, %dma_start3A_28] : memref<10000x128xf32, #tpu.memory_space<hbm>> -> memref<10000x128xf32, #tpu.memory_space<hbm>>
      tpu.enqueue_indirect_dma source(%dma_start3A_29 : memref<10000x128xf32, #tpu.memory_space<hbm>>) target(%arg15 : memref<40x128xf32, #tpu.memory_space<vmem>>) offsets(%arg11 : memref<40xi32, #tpu.memory_space<vmem>>) semaphore(%arg21 : memref<!tpu.dma_semaphore, #tpu.memory_space<semaphore_mem>>)
      %dma_wait3A = arith.constant 0 : i32
      %dma_wait3A_30 = arith.constant 0 : i32
      %dma_wait3A_31 = tpu.memref_slice %arg2[%dma_wait3A, %dma_wait3A_30] : memref<10000x128xf32, #tpu.memory_space<hbm>> -> memref<10000x128xf32, #tpu.memory_space<hbm>>
      tpu.wait_indirect_dma semaphore(%arg18 : memref<!tpu.dma_semaphore, #tpu.memory_space<semaphore_mem>>) src(%dma_wait3A_31 : memref<10000x128xf32, #tpu.memory_space<hbm>>) dst(%arg12 : memref<40x128xf32, #tpu.memory_space<vmem>>)
      %dma_wait3A_32 = arith.constant 0 : i32
      %dma_wait3A_33 = arith.constant 0 : i32
      %dma_wait3A_34 = tpu.memref_slice %arg3[%dma_wait3A_32, %dma_wait3A_33] : memref<10000x128xf32, #tpu.memory_space<hbm>> -> memref<10000x128xf32, #tpu.memory_space<hbm>>
      tpu.wait_indirect_dma semaphore(%arg19 : memref<!tpu.dma_semaphore, #tpu.memory_space<semaphore_mem>>) src(%dma_wait3A_34 : memref<10000x128xf32, #tpu.memory_space<hbm>>) dst(%arg13 : memref<40x128xf32, #tpu.memory_space<vmem>>)
      %scan3A_35 = arith.constant 0 : i32
      %scan3A_36 = arith.constant 40 : i32
      %scan3A_37 = arith.addi %scan3A_35, %scan3A_36 : i32
      %scan3A_38 = arith.constant 1 : i32
      scf.for %scan3A_51 = %scan3A_35 to %scan3A_37 step %scan3A_38  : i32 {
        %mul3A_52 = arith.constant 1 : i32
        %mul3A_53 = arith.muli %scan3A_51, %mul3A_52 : i32
        %add3A_54 = arith.constant 0 : i32
        %add3A_55 = arith.addi %add3A_54, %mul3A_53 : i32
        %broadcast_in_dim3A = arith.constant 0.000000e+00 : f32
        %broadcast_in_dim3A_56 = vector.broadcast %broadcast_in_dim3A : f32 to vector<16xf32>
        %get3A = arith.index_cast %add3A_55 : i32 to index
        %get3A_57 = arith.constant 0 : index
        %get3A_58 = tpu.vector_load %arg12[%get3A, %get3A_57] {strides = array<i32>} : memref<40x128xf32, #tpu.memory_space<vmem>>, vector<16xf32>,
        %get3A_59 = arith.index_cast %add3A_55 : i32 to index
        %get3A_60 = arith.constant 0 : index
        %get3A_61 = tpu.vector_load %arg13[%get3A_59, %get3A_60] {strides = array<i32>} : memref<40x128xf32, #tpu.memory_space<vmem>>, vector<16xf32>,
        %add3A_62 = arith.addf %get3A_58, %get3A_61 : vector<16xf32>
        %max3A = arith.constant 0.000000e+00 : f32
        %max3A_63 = vector.broadcast %max3A : f32 to vector<16xf32>
        %max3A_64 = arith.maximumf %add3A_62, %max3A_63 : vector<16xf32>
        %get3A_65 = arith.constant 0 : index
        %get3A_66 = tpu.vector_load %arg17[%get3A_65] {strides = array<i32>} : memref<128xf32, #tpu.memory_space<vmem>>, vector<16xf32>,
        %mul3A_67 = arith.mulf %max3A_64, %get3A_66 : vector<16xf32>
        %add3A_68 = arith.addf %broadcast_in_dim3A_56, %mul3A_67 : vector<16xf32>
        %get3A_69 = arith.index_cast %add3A_55 : i32 to index
        %get3A_70 = arith.constant 16 : index
        %get3A_71 = tpu.vector_load %arg12[%get3A_69, %get3A_70] {strides = array<i32>} : memref<40x128xf32, #tpu.memory_space<vmem>>, vector<16xf32>,
        %get3A_72 = arith.index_cast %add3A_55 : i32 to index
        %get3A_73 = arith.constant 16 : index
        %get3A_74 = tpu.vector_load %arg13[%get3A_72, %get3A_73] {strides = array<i32>} : memref<40x128xf32, #tpu.memory_space<vmem>>, vector<16xf32>,
        %add3A_75 = arith.addf %get3A_71, %get3A_74 : vector<16xf32>
        %max3A_76 = arith.constant 0.000000e+00 : f32
        %max3A_77 = vector.broadcast %max3A_76 : f32 to vector<16xf32>
        %max3A_78 = arith.maximumf %add3A_75, %max3A_77 : vector<16xf32>
        %get3A_79 = arith.constant 16 : index
        %get3A_80 = tpu.vector_load %arg17[%get3A_79] {strides = array<i32>} : memref<128xf32, #tpu.memory_space<vmem>>, vector<16xf32>,
        %mul3A_81 = arith.mulf %max3A_78, %get3A_80 : vector<16xf32>
        %add3A_82 = arith.addf %add3A_68, %mul3A_81 : vector<16xf32>
        %get3A_83 = arith.index_cast %add3A_55 : i32 to index
        %get3A_84 = arith.constant 32 : index
        %get3A_85 = tpu.vector_load %arg12[%get3A_83, %get3A_84] {strides = array<i32>} : memref<40x128xf32, #tpu.memory_space<vmem>>, vector<16xf32>,
        %get3A_86 = arith.index_cast %add3A_55 : i32 to index
        %get3A_87 = arith.constant 32 : index
        %get3A_88 = tpu.vector_load %arg13[%get3A_86, %get3A_87] {strides = array<i32>} : memref<40x128xf32, #tpu.memory_space<vmem>>, vector<16xf32>,
        %add3A_89 = arith.addf %get3A_85, %get3A_88 : vector<16xf32>
        %max3A_90 = arith.constant 0.000000e+00 : f32
        %max3A_91 = vector.broadcast %max3A_90 : f32 to vector<16xf32>
        %max3A_92 = arith.maximumf %add3A_89, %max3A_91 : vector<16xf32>
        %get3A_93 = arith.constant 32 : index
        %get3A_94 = tpu.vector_load %arg17[%get3A_93] {strides = array<i32>} : memref<128xf32, #tpu.memory_space<vmem>>, vector<16xf32>,
        %mul3A_95 = arith.mulf %max3A_92, %get3A_94 : vector<16xf32>
        %add3A_96 = arith.addf %add3A_82, %mul3A_95 : vector<16xf32>
        %get3A_97 = arith.index_cast %add3A_55 : i32 to index
        %get3A_98 = arith.constant 48 : index
        %get3A_99 = tpu.vector_load %arg12[%get3A_97, %get3A_98] {strides = array<i32>} : memref<40x128xf32, #tpu.memory_space<vmem>>, vector<16xf32>,
        %get3A_100 = arith.index_cast %add3A_55 : i32 to index
        %get3A_101 = arith.constant 48 : index
        %get3A_102 = tpu.vector_load %arg13[%get3A_100, %get3A_101] {strides = array<i32>} : memref<40x128xf32, #tpu.memory_space<vmem>>, vector<16xf32>,
        %add3A_103 = arith.addf %get3A_99, %get3A_102 : vector<16xf32>
        %max3A_104 = arith.constant 0.000000e+00 : f32
        %max3A_105 = vector.broadcast %max3A_104 : f32 to vector<16xf32>
        %max3A_106 = arith.maximumf %add3A_103, %max3A_105 : vector<16xf32>
        %get3A_107 = arith.constant 48 : index
        %get3A_108 = tpu.vector_load %arg17[%get3A_107] {strides = array<i32>} : memref<128xf32, #tpu.memory_space<vmem>>, vector<16xf32>,
        %mul3A_109 = arith.mulf %max3A_106, %get3A_108 : vector<16xf32>
        %add3A_110 = arith.addf %add3A_96, %mul3A_109 : vector<16xf32>
        %get3A_111 = arith.index_cast %add3A_55 : i32 to index
        %get3A_112 = arith.constant 64 : index
        %get3A_113 = tpu.vector_load %arg12[%get3A_111, %get3A_112] {strides = array<i32>} : memref<40x128xf32, #tpu.memory_space<vmem>>, vector<16xf32>,
        %get3A_114 = arith.index_cast %add3A_55 : i32 to index
        %get3A_115 = arith.constant 64 : index
        %get3A_116 = tpu.vector_load %arg13[%get3A_114, %get3A_115] {strides = array<i32>} : memref<40x128xf32, #tpu.memory_space<vmem>>, vector<16xf32>,
        %add3A_117 = arith.addf %get3A_113, %get3A_116 : vector<16xf32>
        %max3A_118 = arith.constant 0.000000e+00 : f32
        %max3A_119 = vector.broadcast %max3A_118 : f32 to vector<16xf32>
        %max3A_120 = arith.maximumf %add3A_117, %max3A_119 : vector<16xf32>
        %get3A_121 = arith.constant 64 : index
        %get3A_122 = tpu.vector_load %arg17[%get3A_121] {strides = array<i32>} : memref<128xf32, #tpu.memory_space<vmem>>, vector<16xf32>,
        %mul3A_123 = arith.mulf %max3A_120, %get3A_122 : vector<16xf32>
        %add3A_124 = arith.addf %add3A_110, %mul3A_123 : vector<16xf32>
        %get3A_125 = arith.index_cast %add3A_55 : i32 to index
        %get3A_126 = arith.constant 80 : index
        %get3A_127 = tpu.vector_load %arg12[%get3A_125, %get3A_126] {strides = array<i32>} : memref<40x128xf32, #tpu.memory_space<vmem>>, vector<16xf32>,
        %get3A_128 = arith.index_cast %add3A_55 : i32 to index
        %get3A_129 = arith.constant 80 : index
        %get3A_130 = tpu.vector_load %arg13[%get3A_128, %get3A_129] {strides = array<i32>} : memref<40x128xf32, #tpu.memory_space<vmem>>, vector<16xf32>,
        %add3A_131 = arith.addf %get3A_127, %get3A_130 : vector<16xf32>
        %max3A_132 = arith.constant 0.000000e+00 : f32
        %max3A_133 = vector.broadcast %max3A_132 : f32 to vector<16xf32>
        %max3A_134 = arith.maximumf %add3A_131, %max3A_133 : vector<16xf32>
        %get3A_135 = arith.constant 80 : index
        %get3A_136 = tpu.vector_load %arg17[%get3A_135] {strides = array<i32>} : memref<128xf32, #tpu.memory_space<vmem>>, vector<16xf32>,
        %mul3A_137 = arith.mulf %max3A_134, %get3A_136 : vector<16xf32>
        %add3A_138 = arith.addf %add3A_124, %mul3A_137 : vector<16xf32>
        %get3A_139 = arith.index_cast %add3A_55 : i32 to index
        %get3A_140 = arith.constant 96 : index
        %get3A_141 = tpu.vector_load %arg12[%get3A_139, %get3A_140] {strides = array<i32>} : memref<40x128xf32, #tpu.memory_space<vmem>>, vector<16xf32>,
        %get3A_142 = arith.index_cast %add3A_55 : i32 to index
        %get3A_143 = arith.constant 96 : index
        %get3A_144 = tpu.vector_load %arg13[%get3A_142, %get3A_143] {strides = array<i32>} : memref<40x128xf32, #tpu.memory_space<vmem>>, vector<16xf32>,
        %add3A_145 = arith.addf %get3A_141, %get3A_144 : vector<16xf32>
        %max3A_146 = arith.constant 0.000000e+00 : f32
        %max3A_147 = vector.broadcast %max3A_146 : f32 to vector<16xf32>
        %max3A_148 = arith.maximumf %add3A_145, %max3A_147 : vector<16xf32>
        %get3A_149 = arith.constant 96 : index
        %get3A_150 = tpu.vector_load %arg17[%get3A_149] {strides = array<i32>} : memref<128xf32, #tpu.memory_space<vmem>>, vector<16xf32>,
        %mul3A_151 = arith.mulf %max3A_148, %get3A_150 : vector<16xf32>
        %add3A_152 = arith.addf %add3A_138, %mul3A_151 : vector<16xf32>
        %get3A_153 = arith.index_cast %add3A_55 : i32 to index
        %get3A_154 = arith.constant 112 : index
        %get3A_155 = tpu.vector_load %arg12[%get3A_153, %get3A_154] {strides = array<i32>} : memref<40x128xf32, #tpu.memory_space<vmem>>, vector<16xf32>,
        %get3A_156 = arith.index_cast %add3A_55 : i32 to index
        %get3A_157 = arith.constant 112 : index
        %get3A_158 = tpu.vector_load %arg13[%get3A_156, %get3A_157] {strides = array<i32>} : memref<40x128xf32, #tpu.memory_space<vmem>>, vector<16xf32>,
        %add3A_159 = arith.addf %get3A_155, %get3A_158 : vector<16xf32>
        %max3A_160 = arith.constant 0.000000e+00 : f32
        %max3A_161 = vector.broadcast %max3A_160 : f32 to vector<16xf32>
        %max3A_162 = arith.maximumf %add3A_159, %max3A_161 : vector<16xf32>
        %get3A_163 = arith.constant 112 : index
        %get3A_164 = tpu.vector_load %arg17[%get3A_163] {strides = array<i32>} : memref<128xf32, #tpu.memory_space<vmem>>, vector<16xf32>,
        %mul3A_165 = arith.mulf %max3A_162, %get3A_164 : vector<16xf32>
        %add3A_166 = arith.addf %add3A_152, %mul3A_165 : vector<16xf32>
        %swap3A = arith.index_cast %add3A_55 : i32 to index
        %swap3A_167 = arith.constant 0 : index
        %swap3A_168 = tpu.vector_load %arg16[%swap3A, %swap3A_167] {strides = array<i32>} : memref<40x16xf32, #tpu.memory_space<vmem>>, vector<16xf32>,
        tpu.vector_store %arg16[%swap3A, %swap3A_167], %add3A_166 {strides = array<i32>} : memref<40x16xf32, #tpu.memory_space<vmem>>, vector<16xf32>,
      }
      %scan3A_39 = arith.constant 40 : i32
      "tpu.region"() ({
        %run_scoped3A = tpu.sem_alloc : memref<!tpu.dma_semaphore, #tpu.memory_space<semaphore_mem>>
        %dma_start3A_51 = arith.constant 0 : i32
        %dma_start3A_52 = tpu.memref_slice %arg7[%add3A_16, %dma_start3A_51] : memref<320000x16xf32, #tpu.memory_space<hbm>> -> memref<40x16xf32, #tpu.memory_space<hbm>>
        %dma_start3A_53 = arith.constant 0 : i32
        %dma_start3A_54 = tpu.memref_slice %arg7[%add3A_16, %dma_start3A_53] : memref<320000x16xf32, #tpu.memory_space<hbm>> -> memref<40x16xf32, #tpu.memory_space<hbm>>
        tpu.enqueue_dma source(%arg16 : memref<40x16xf32, #tpu.memory_space<vmem>>) target(%dma_start3A_54 : memref<40x16xf32, #tpu.memory_space<hbm>>) target_semaphore(%run_scoped3A : memref<!tpu.dma_semaphore, #tpu.memory_space<semaphore_mem>>)
        %dma_wait3A_55 = arith.constant 0 : i32
        %dma_wait3A_56 = tpu.memref_slice %arg7[%add3A_16, %dma_wait3A_55] : memref<320000x16xf32, #tpu.memory_space<hbm>> -> memref<40x16xf32, #tpu.memory_space<hbm>>
        %dma_wait3A_57 = arith.constant 0 : i32
        %dma_wait3A_58 = tpu.memref_slice %arg7[%add3A_16, %dma_wait3A_57] : memref<320000x16xf32, #tpu.memory_space<hbm>> -> memref<40x16xf32, #tpu.memory_space<hbm>>
        tpu.wait_dma2 semaphore(%run_scoped3A : memref<!tpu.dma_semaphore, #tpu.memory_space<semaphore_mem>>) src(%arg16 : memref<40x16xf32, #tpu.memory_space<vmem>>) dst(%dma_wait3A_58 : memref<40x16xf32, #tpu.memory_space<hbm>>)
        tpu.yield
      }) : () -> ()
      %dma_wait3A_40 = arith.constant 0 : i32
      %dma_wait3A_41 = arith.constant 0 : i32
      %dma_wait3A_42 = tpu.memref_slice %arg2[%dma_wait3A_40, %dma_wait3A_41] : memref<10000x128xf32, #tpu.memory_space<hbm>> -> memref<10000x128xf32, #tpu.memory_space<hbm>>
      tpu.wait_indirect_dma semaphore(%arg20 : memref<!tpu.dma_semaphore, #tpu.memory_space<semaphore_mem>>) src(%dma_wait3A_42 : memref<10000x128xf32, #tpu.memory_space<hbm>>) dst(%arg14 : memref<40x128xf32, #tpu.memory_space<vmem>>)
      %dma_wait3A_43 = arith.constant 0 : i32
      %dma_wait3A_44 = arith.constant 0 : i32
      %dma_wait3A_45 = tpu.memref_slice %arg3[%dma_wait3A_43, %dma_wait3A_44] : memref<10000x128xf32, #tpu.memory_space<hbm>> -> memref<10000x128xf32, #tpu.memory_space<hbm>>
      tpu.wait_indirect_dma semaphore(%arg21 : memref<!tpu.dma_semaphore, #tpu.memory_space<semaphore_mem>>) src(%dma_wait3A_45 : memref<10000x128xf32, #tpu.memory_space<hbm>>) dst(%arg15 : memref<40x128xf32, #tpu.memory_space<vmem>>)
      %scan3A_46 = arith.constant 0 : i32
      %scan3A_47 = arith.constant 40 : i32
      %scan3A_48 = arith.addi %scan3A_46, %scan3A_47 : i32
      %scan3A_49 = arith.constant 1 : i32
      scf.for %scan3A_51 = %scan3A_46 to %scan3A_48 step %scan3A_49  : i32 {
        %mul3A_52 = arith.constant 1 : i32
        %mul3A_53 = arith.muli %scan3A_51, %mul3A_52 : i32
        %add3A_54 = arith.constant 0 : i32
        %add3A_55 = arith.addi %add3A_54, %mul3A_53 : i32
        %broadcast_in_dim3A = arith.constant 0.000000e+00 : f32
        %broadcast_in_dim3A_56 = vector.broadcast %broadcast_in_dim3A : f32 to vector<16xf32>
        %get3A = arith.index_cast %add3A_55 : i32 to index
        %get3A_57 = arith.constant 0 : index
        %get3A_58 = tpu.vector_load %arg14[%get3A, %get3A_57] {strides = array<i32>} : memref<40x128xf32, #tpu.memory_space<vmem>>, vector<16xf32>,
        %get3A_59 = arith.index_cast %add3A_55 : i32 to index
        %get3A_60 = arith.constant 0 : index
        %get3A_61 = tpu.vector_load %arg15[%get3A_59, %get3A_60] {strides = array<i32>} : memref<40x128xf32, #tpu.memory_space<vmem>>, vector<16xf32>,
        %add3A_62 = arith.addf %get3A_58, %get3A_61 : vector<16xf32>
        %max3A = arith.constant 0.000000e+00 : f32
        %max3A_63 = vector.broadcast %max3A : f32 to vector<16xf32>
        %max3A_64 = arith.maximumf %add3A_62, %max3A_63 : vector<16xf32>
        %get3A_65 = arith.constant 0 : index
        %get3A_66 = tpu.vector_load %arg17[%get3A_65] {strides = array<i32>} : memref<128xf32, #tpu.memory_space<vmem>>, vector<16xf32>,
        %mul3A_67 = arith.mulf %max3A_64, %get3A_66 : vector<16xf32>
        %add3A_68 = arith.addf %broadcast_in_dim3A_56, %mul3A_67 : vector<16xf32>
        %get3A_69 = arith.index_cast %add3A_55 : i32 to index
        %get3A_70 = arith.constant 16 : index
        %get3A_71 = tpu.vector_load %arg14[%get3A_69, %get3A_70] {strides = array<i32>} : memref<40x128xf32, #tpu.memory_space<vmem>>, vector<16xf32>,
        %get3A_72 = arith.index_cast %add3A_55 : i32 to index
        %get3A_73 = arith.constant 16 : index
        %get3A_74 = tpu.vector_load %arg15[%get3A_72, %get3A_73] {strides = array<i32>} : memref<40x128xf32, #tpu.memory_space<vmem>>, vector<16xf32>,
        %add3A_75 = arith.addf %get3A_71, %get3A_74 : vector<16xf32>
        %max3A_76 = arith.constant 0.000000e+00 : f32
        %max3A_77 = vector.broadcast %max3A_76 : f32 to vector<16xf32>
        %max3A_78 = arith.maximumf %add3A_75, %max3A_77 : vector<16xf32>
        %get3A_79 = arith.constant 16 : index
        %get3A_80 = tpu.vector_load %arg17[%get3A_79] {strides = array<i32>} : memref<128xf32, #tpu.memory_space<vmem>>, vector<16xf32>,
        %mul3A_81 = arith.mulf %max3A_78, %get3A_80 : vector<16xf32>
        %add3A_82 = arith.addf %add3A_68, %mul3A_81 : vector<16xf32>
        %get3A_83 = arith.index_cast %add3A_55 : i32 to index
        %get3A_84 = arith.constant 32 : index
        %get3A_85 = tpu.vector_load %arg14[%get3A_83, %get3A_84] {strides = array<i32>} : memref<40x128xf32, #tpu.memory_space<vmem>>, vector<16xf32>,
        %get3A_86 = arith.index_cast %add3A_55 : i32 to index
        %get3A_87 = arith.constant 32 : index
        %get3A_88 = tpu.vector_load %arg15[%get3A_86, %get3A_87] {strides = array<i32>} : memref<40x128xf32, #tpu.memory_space<vmem>>, vector<16xf32>,
        %add3A_89 = arith.addf %get3A_85, %get3A_88 : vector<16xf32>
        %max3A_90 = arith.constant 0.000000e+00 : f32
        %max3A_91 = vector.broadcast %max3A_90 : f32 to vector<16xf32>
        %max3A_92 = arith.maximumf %add3A_89, %max3A_91 : vector<16xf32>
        %get3A_93 = arith.constant 32 : index
        %get3A_94 = tpu.vector_load %arg17[%get3A_93] {strides = array<i32>} : memref<128xf32, #tpu.memory_space<vmem>>, vector<16xf32>,
        %mul3A_95 = arith.mulf %max3A_92, %get3A_94 : vector<16xf32>
        %add3A_96 = arith.addf %add3A_82, %mul3A_95 : vector<16xf32>
        %get3A_97 = arith.index_cast %add3A_55 : i32 to index
        %get3A_98 = arith.constant 48 : index
        %get3A_99 = tpu.vector_load %arg14[%get3A_97, %get3A_98] {strides = array<i32>} : memref<40x128xf32, #tpu.memory_space<vmem>>, vector<16xf32>,
        %get3A_100 = arith.index_cast %add3A_55 : i32 to index
        %get3A_101 = arith.constant 48 : index
        %get3A_102 = tpu.vector_load %arg15[%get3A_100, %get3A_101] {strides = array<i32>} : memref<40x128xf32, #tpu.memory_space<vmem>>, vector<16xf32>,
        %add3A_103 = arith.addf %get3A_99, %get3A_102 : vector<16xf32>
        %max3A_104 = arith.constant 0.000000e+00 : f32
        %max3A_105 = vector.broadcast %max3A_104 : f32 to vector<16xf32>
        %max3A_106 = arith.maximumf %add3A_103, %max3A_105 : vector<16xf32>
        %get3A_107 = arith.constant 48 : index
        %get3A_108 = tpu.vector_load %arg17[%get3A_107] {strides = array<i32>} : memref<128xf32, #tpu.memory_space<vmem>>, vector<16xf32>,
        %mul3A_109 = arith.mulf %max3A_106, %get3A_108 : vector<16xf32>
        %add3A_110 = arith.addf %add3A_96, %mul3A_109 : vector<16xf32>
        %get3A_111 = arith.index_cast %add3A_55 : i32 to index
        %get3A_112 = arith.constant 64 : index
        %get3A_113 = tpu.vector_load %arg14[%get3A_111, %get3A_112] {strides = array<i32>} : memref<40x128xf32, #tpu.memory_space<vmem>>, vector<16xf32>,
        %get3A_114 = arith.index_cast %add3A_55 : i32 to index
        %get3A_115 = arith.constant 64 : index
        %get3A_116 = tpu.vector_load %arg15[%get3A_114, %get3A_115] {strides = array<i32>} : memref<40x128xf32, #tpu.memory_space<vmem>>, vector<16xf32>,
        %add3A_117 = arith.addf %get3A_113, %get3A_116 : vector<16xf32>
        %max3A_118 = arith.constant 0.000000e+00 : f32
        %max3A_119 = vector.broadcast %max3A_118 : f32 to vector<16xf32>
        %max3A_120 = arith.maximumf %add3A_117, %max3A_119 : vector<16xf32>
        %get3A_121 = arith.constant 64 : index
        %get3A_122 = tpu.vector_load %arg17[%get3A_121] {strides = array<i32>} : memref<128xf32, #tpu.memory_space<vmem>>, vector<16xf32>,
        %mul3A_123 = arith.mulf %max3A_120, %get3A_122 : vector<16xf32>
        %add3A_124 = arith.addf %add3A_110, %mul3A_123 : vector<16xf32>
        %get3A_125 = arith.index_cast %add3A_55 : i32 to index
        %get3A_126 = arith.constant 80 : index
        %get3A_127 = tpu.vector_load %arg14[%get3A_125, %get3A_126] {strides = array<i32>} : memref<40x128xf32, #tpu.memory_space<vmem>>, vector<16xf32>,
        %get3A_128 = arith.index_cast %add3A_55 : i32 to index
        %get3A_129 = arith.constant 80 : index
        %get3A_130 = tpu.vector_load %arg15[%get3A_128, %get3A_129] {strides = array<i32>} : memref<40x128xf32, #tpu.memory_space<vmem>>, vector<16xf32>,
        %add3A_131 = arith.addf %get3A_127, %get3A_130 : vector<16xf32>
        %max3A_132 = arith.constant 0.000000e+00 : f32
        %max3A_133 = vector.broadcast %max3A_132 : f32 to vector<16xf32>
        %max3A_134 = arith.maximumf %add3A_131, %max3A_133 : vector<16xf32>
        %get3A_135 = arith.constant 80 : index
        %get3A_136 = tpu.vector_load %arg17[%get3A_135] {strides = array<i32>} : memref<128xf32, #tpu.memory_space<vmem>>, vector<16xf32>,
        %mul3A_137 = arith.mulf %max3A_134, %get3A_136 : vector<16xf32>
        %add3A_138 = arith.addf %add3A_124, %mul3A_137 : vector<16xf32>
        %get3A_139 = arith.index_cast %add3A_55 : i32 to index
        %get3A_140 = arith.constant 96 : index
        %get3A_141 = tpu.vector_load %arg14[%get3A_139, %get3A_140] {strides = array<i32>} : memref<40x128xf32, #tpu.memory_space<vmem>>, vector<16xf32>,
        %get3A_142 = arith.index_cast %add3A_55 : i32 to index
        %get3A_143 = arith.constant 96 : index
        %get3A_144 = tpu.vector_load %arg15[%get3A_142, %get3A_143] {strides = array<i32>} : memref<40x128xf32, #tpu.memory_space<vmem>>, vector<16xf32>,
        %add3A_145 = arith.addf %get3A_141, %get3A_144 : vector<16xf32>
        %max3A_146 = arith.constant 0.000000e+00 : f32
        %max3A_147 = vector.broadcast %max3A_146 : f32 to vector<16xf32>
        %max3A_148 = arith.maximumf %add3A_145, %max3A_147 : vector<16xf32>
        %get3A_149 = arith.constant 96 : index
        %get3A_150 = tpu.vector_load %arg17[%get3A_149] {strides = array<i32>} : memref<128xf32, #tpu.memory_space<vmem>>, vector<16xf32>,
        %mul3A_151 = arith.mulf %max3A_148, %get3A_150 : vector<16xf32>
        %add3A_152 = arith.addf %add3A_138, %mul3A_151 : vector<16xf32>
        %get3A_153 = arith.index_cast %add3A_55 : i32 to index
        %get3A_154 = arith.constant 112 : index
        %get3A_155 = tpu.vector_load %arg14[%get3A_153, %get3A_154] {strides = array<i32>} : memref<40x128xf32, #tpu.memory_space<vmem>>, vector<16xf32>,
        %get3A_156 = arith.index_cast %add3A_55 : i32 to index
        %get3A_157 = arith.constant 112 : index
        %get3A_158 = tpu.vector_load %arg15[%get3A_156, %get3A_157] {strides = array<i32>} : memref<40x128xf32, #tpu.memory_space<vmem>>, vector<16xf32>,
        %add3A_159 = arith.addf %get3A_155, %get3A_158 : vector<16xf32>
        %max3A_160 = arith.constant 0.000000e+00 : f32
        %max3A_161 = vector.broadcast %max3A_160 : f32 to vector<16xf32>
        %max3A_162 = arith.maximumf %add3A_159, %max3A_161 : vector<16xf32>
        %get3A_163 = arith.constant 112 : index
        %get3A_164 = tpu.vector_load %arg17[%get3A_163] {strides = array<i32>} : memref<128xf32, #tpu.memory_space<vmem>>, vector<16xf32>,
        %mul3A_165 = arith.mulf %max3A_162, %get3A_164 : vector<16xf32>
        %add3A_166 = arith.addf %add3A_152, %mul3A_165 : vector<16xf32>
        %swap3A = arith.index_cast %add3A_55 : i32 to index
        %swap3A_167 = arith.constant 0 : index
        %swap3A_168 = tpu.vector_load %arg16[%swap3A, %swap3A_167] {strides = array<i32>} : memref<40x16xf32, #tpu.memory_space<vmem>>, vector<16xf32>,
        tpu.vector_store %arg16[%swap3A, %swap3A_167], %add3A_166 {strides = array<i32>} : memref<40x16xf32, #tpu.memory_space<vmem>>, vector<16xf32>,
      }
      %scan3A_50 = arith.constant 40 : i32
      "tpu.region"() ({
        %run_scoped3A = tpu.sem_alloc : memref<!tpu.dma_semaphore, #tpu.memory_space<semaphore_mem>>
        %dma_start3A_51 = arith.constant 0 : i32
        %dma_start3A_52 = tpu.memref_slice %arg7[%add3A_18, %dma_start3A_51] : memref<320000x16xf32, #tpu.memory_space<hbm>> -> memref<40x16xf32, #tpu.memory_space<hbm>>
        %dma_start3A_53 = arith.constant 0 : i32
        %dma_start3A_54 = tpu.memref_slice %arg7[%add3A_18, %dma_start3A_53] : memref<320000x16xf32, #tpu.memory_space<hbm>> -> memref<40x16xf32, #tpu.memory_space<hbm>>
        tpu.enqueue_dma source(%arg16 : memref<40x16xf32, #tpu.memory_space<vmem>>) target(%dma_start3A_54 : memref<40x16xf32, #tpu.memory_space<hbm>>) target_semaphore(%run_scoped3A : memref<!tpu.dma_semaphore, #tpu.memory_space<semaphore_mem>>)
        %dma_wait3A_55 = arith.constant 0 : i32
        %dma_wait3A_56 = tpu.memref_slice %arg7[%add3A_18, %dma_wait3A_55] : memref<320000x16xf32, #tpu.memory_space<hbm>> -> memref<40x16xf32, #tpu.memory_space<hbm>>
        %dma_wait3A_57 = arith.constant 0 : i32
        %dma_wait3A_58 = tpu.memref_slice %arg7[%add3A_18, %dma_wait3A_57] : memref<320000x16xf32, #tpu.memory_space<hbm>> -> memref<40x16xf32, #tpu.memory_space<hbm>>
        tpu.wait_dma2 semaphore(%run_scoped3A : memref<!tpu.dma_semaphore, #tpu.memory_space<semaphore_mem>>) src(%arg16 : memref<40x16xf32, #tpu.memory_space<vmem>>) dst(%dma_wait3A_58 : memref<40x16xf32, #tpu.memory_space<hbm>>)
        tpu.yield
      }) : () -> ()
    }
    %scan3A_6 = arith.constant 125 : i32
    return
  }
}

module attributes {stable_mosaic.version = 14 : i64} {
  func.func @_prep_body(%arg0: i32, %arg1: memref<1000x128xf32, #tpu.memory_space<vmem>>, %arg2: memref<1000x128xf32, #tpu.memory_space<vmem>>, %arg3: memref<128x128xf32, #tpu.memory_space<vmem>>, %arg4: memref<128x128xf32, #tpu.memory_space<vmem>>, %arg5: memref<1x128xf32, #tpu.memory_space<vmem>>, %arg6: memref<1000x128xf32, #tpu.memory_space<vmem>>, %arg7: memref<1000x128xf32, #tpu.memory_space<vmem>>) attributes {dimension_semantics = [#tpu.dimension_semantics<arbitrary>], iteration_bounds = array<i64: 10>, scalar_prefetch = 0 : i64, scratch_operands = 0 : i64, tpu.core_type = #tpu.core_type<tc>, window_params = [{transform_indices = @transform_0, window_bounds = array<i64: 1000, 128>}, {transform_indices = @transform_1, window_bounds = array<i64: 1000, 128>}, {pipeline_mode = #tpu.pipeline_mode<synchronous>, transform_indices = @transform_2, window_bounds = array<i64: 128, 128>}, {pipeline_mode = #tpu.pipeline_mode<synchronous>, transform_indices = @transform_3, window_bounds = array<i64: 128, 128>}, {pipeline_mode = #tpu.pipeline_mode<synchronous>, transform_indices = @transform_4, window_bounds = array<i64: 1, 128>}, {transform_indices = @transform_5, window_bounds = array<i64: 1000, 128>}, {transform_indices = @transform_6, window_bounds = array<i64: 1000, 128>}]} {
    %get3A = arith.constant 0 : index
    %get3A_0 = arith.constant 0 : index
    %get3A_1 = vector.load %arg1[%get3A, %get3A_0] : memref<1000x128xf32, #tpu.memory_space<vmem>>, vector<1000x128xf32>
    %get3A_2 = arith.constant 0 : index
    %get3A_3 = arith.constant 0 : index
    %get3A_4 = vector.load %arg3[%get3A_2, %get3A_3] : memref<128x128xf32, #tpu.memory_space<vmem>>, vector<128x128xf32>
    %dot_general3A = arith.constant dense<0.000000e+00> : vector<1000x128xf32>
    %dot_general3A_5 = tpu.matmul %get3A_1, %get3A_4, %dot_general3A {dimension_numbers = #tpu.dot_dimension_numbers<[1], [0], [0], [1], [0, 0, 1, 1], [], []>, transpose_lhs_hint = false} : vector<1000x128xf32>, vector<128x128xf32>, vector<1000x128xf32> -> vector<1000x128xf32>
    %swap3A = arith.constant 0 : index
    %swap3A_6 = arith.constant 0 : index
    %swap3A_7 = vector.load %arg6[%swap3A, %swap3A_6] : memref<1000x128xf32, #tpu.memory_space<vmem>>, vector<1000x128xf32>
    tpu.vector_store %arg6[%swap3A, %swap3A_6], %dot_general3A_5 {strides = array<i32>} : memref<1000x128xf32, #tpu.memory_space<vmem>>, vector<1000x128xf32>,
    %get3A_8 = arith.constant 0 : index
    %get3A_9 = arith.constant 0 : index
    %get3A_10 = vector.load %arg2[%get3A_8, %get3A_9] : memref<1000x128xf32, #tpu.memory_space<vmem>>, vector<1000x128xf32>
    %get3A_11 = arith.constant 0 : index
    %get3A_12 = arith.constant 0 : index
    %get3A_13 = vector.load %arg4[%get3A_11, %get3A_12] : memref<128x128xf32, #tpu.memory_space<vmem>>, vector<128x128xf32>
    %dot_general3A_14 = arith.constant dense<0.000000e+00> : vector<1000x128xf32>
    %dot_general3A_15 = tpu.matmul %get3A_10, %get3A_13, %dot_general3A_14 {dimension_numbers = #tpu.dot_dimension_numbers<[1], [0], [0], [1], [0, 0, 1, 1], [], []>, transpose_lhs_hint = false} : vector<1000x128xf32>, vector<128x128xf32>, vector<1000x128xf32> -> vector<1000x128xf32>
    %get3A_16 = arith.constant 0 : index
    %get3A_17 = arith.constant 0 : index
    %get3A_18 = vector.load %arg5[%get3A_16, %get3A_17] : memref<1x128xf32, #tpu.memory_space<vmem>>, vector<1x128xf32>
    %add3A = vector.broadcast %get3A_18 : vector<1x128xf32> to vector<1000x128xf32>
    %add3A_19 = arith.addf %dot_general3A_15, %add3A : vector<1000x128xf32>
    %swap3A_20 = arith.constant 0 : index
    %swap3A_21 = arith.constant 0 : index
    %swap3A_22 = vector.load %arg7[%swap3A_20, %swap3A_21] : memref<1000x128xf32, #tpu.memory_space<vmem>>, vector<1000x128xf32>
    tpu.vector_store %arg7[%swap3A_20, %swap3A_21], %add3A_19 {strides = array<i32>} : memref<1000x128xf32, #tpu.memory_space<vmem>>, vector<1000x128xf32>,
    return
  }
  func.func @transform_0(%arg0: i32) -> (i32, i32) {
    %c0_i32 = arith.constant 0 : i32
    %c0_i32_0 = arith.constant 0 : i32
    return %arg0, %c0_i32 : i32, i32
  }
  func.func @transform_1(%arg0: i32) -> (i32, i32) {
    %c0_i32 = arith.constant 0 : i32
    %c0_i32_0 = arith.constant 0 : i32
    return %arg0, %c0_i32 : i32, i32
  }
  func.func @transform_2(%arg0: i32) -> (i32, i32) {
    %c0_i32 = arith.constant 0 : i32
    %c0_i32_0 = arith.constant 0 : i32
    %c0_i32_1 = arith.constant 0 : i32
    return %c0_i32, %c0_i32_0 : i32, i32
  }
  func.func @transform_3(%arg0: i32) -> (i32, i32) {
    %c0_i32 = arith.constant 0 : i32
    %c0_i32_0 = arith.constant 0 : i32
    %c0_i32_1 = arith.constant 0 : i32
    return %c0_i32, %c0_i32_0 : i32, i32
  }
  func.func @transform_4(%arg0: i32) -> (i32, i32) {
    %c0_i32 = arith.constant 0 : i32
    %c0_i32_0 = arith.constant 0 : i32
    %c0_i32_1 = arith.constant 0 : i32
    return %c0_i32, %c0_i32_0 : i32, i32
  }
  func.func @transform_5(%arg0: i32) -> (i32, i32) {
    %c0_i32 = arith.constant 0 : i32
    %c0_i32_0 = arith.constant 0 : i32
    return %arg0, %c0_i32 : i32, i32
  }
  func.func @transform_6(%arg0: i32) -> (i32, i32) {
    %c0_i32 = arith.constant 0 : i32
    %c0_i32_0 = arith.constant 0 : i32
    return %arg0, %c0_i32 : i32, i32
  }
}

module attributes {stable_mosaic.version = 14 : i64} {
  func.func @_update_body(%arg0: i32, %arg1: memref<1000x128xf32, #tpu.memory_space<vmem>>, %arg2: memref<1000x128xf32, #tpu.memory_space<vmem>>, %arg3: memref<1000x128xf32, #tpu.memory_space<vmem>>, %arg4: memref<1000x32xf32, #tpu.memory_space<vmem>>, %arg5: memref<1000x128xf32, #tpu.memory_space<vmem>>) attributes {dimension_semantics = [#tpu.dimension_semantics<arbitrary>], iteration_bounds = array<i64: 10>, scalar_prefetch = 0 : i64, scratch_operands = 0 : i64, tpu.core_type = #tpu.core_type<tc>, window_params = [{transform_indices = @transform_0, window_bounds = array<i64: 1000, 128>}, {transform_indices = @transform_1, window_bounds = array<i64: 1000, 128>}, {transform_indices = @transform_2, window_bounds = array<i64: 1000, 128>}, {transform_indices = @transform_3, window_bounds = array<i64: 1000, 32>}, {transform_indices = @transform_4, window_bounds = array<i64: 1000, 128>}]} {
    %get3A = arith.constant 0 : index
    %get3A_0 = arith.constant 0 : index
    %get3A_1 = vector.load %arg4[%get3A, %get3A_0] : memref<1000x32xf32, #tpu.memory_space<vmem>>, vector<1000x32xf32>
    %reduce_sum3A = arith.constant dense<0.000000e+00> : vector<1000xf32>
    %reduce_sum3A_2 = vector.multi_reduction <add>, %get3A_1, %reduce_sum3A [1] : vector<1000x32xf32> to vector<1000xf32>
    %broadcast_in_dim3A = vector.shape_cast %reduce_sum3A_2 : vector<1000xf32> to vector<1000x1xf32>
    %get3A_3 = arith.constant 0 : index
    %get3A_4 = arith.constant 0 : index
    %get3A_5 = vector.load %arg2[%get3A_3, %get3A_4] : memref<1000x128xf32, #tpu.memory_space<vmem>>, vector<1000x128xf32>
    %get3A_6 = arith.constant 0 : index
    %get3A_7 = arith.constant 0 : index
    %get3A_8 = vector.load %arg3[%get3A_6, %get3A_7] : memref<1000x128xf32, #tpu.memory_space<vmem>>, vector<1000x128xf32>
    %add3A = arith.addf %get3A_5, %get3A_8 : vector<1000x128xf32>
    %gt3A = arith.constant 0.000000e+00 : f32
    %gt3A_9 = vector.broadcast %gt3A : f32 to vector<1000x1xf32>
    %gt3A_10 = arith.cmpf ogt, %broadcast_in_dim3A, %gt3A_9 : vector<1000x1xf32>
    %max3A = arith.constant 1.000000e+00 : f32
    %max3A_11 = vector.broadcast %max3A : f32 to vector<1000x1xf32>
    %max3A_12 = arith.maximumf %broadcast_in_dim3A, %max3A_11 : vector<1000x1xf32>
    %div3A = vector.broadcast %max3A_12 : vector<1000x1xf32> to vector<1000x128xf32>
    %div3A_13 = arith.divf %add3A, %div3A : vector<1000x128xf32>
    %get3A_14 = arith.constant 0 : index
    %get3A_15 = arith.constant 0 : index
    %get3A_16 = vector.load %arg1[%get3A_14, %get3A_15] : memref<1000x128xf32, #tpu.memory_space<vmem>>, vector<1000x128xf32>
    %broadcast_in_dim3A_17 = vector.shape_cast %gt3A_10 : vector<1000x1xi1> to vector<1000x1xi1>
    %broadcast_in_dim3A_18 = vector.broadcast %broadcast_in_dim3A_17 : vector<1000x1xi1> to vector<1000x128xi1>
    %select_n3A = arith.select %broadcast_in_dim3A_18, %div3A_13, %get3A_16 : vector<1000x128xi1>, vector<1000x128xf32>
    %swap3A = arith.constant 0 : index
    %swap3A_19 = arith.constant 0 : index
    %swap3A_20 = vector.load %arg5[%swap3A, %swap3A_19] : memref<1000x128xf32, #tpu.memory_space<vmem>>, vector<1000x128xf32>
    tpu.vector_store %arg5[%swap3A, %swap3A_19], %select_n3A {strides = array<i32>} : memref<1000x128xf32, #tpu.memory_space<vmem>>, vector<1000x128xf32>,
    return
  }
  func.func @transform_0(%arg0: i32) -> (i32, i32) {
    %c0_i32 = arith.constant 0 : i32
    %c0_i32_0 = arith.constant 0 : i32
    return %arg0, %c0_i32 : i32, i32
  }
  func.func @transform_1(%arg0: i32) -> (i32, i32) {
    %c0_i32 = arith.constant 0 : i32
    %c0_i32_0 = arith.constant 0 : i32
    return %arg0, %c0_i32 : i32, i32
  }
  func.func @transform_2(%arg0: i32) -> (i32, i32) {
    %c0_i32 = arith.constant 0 : i32
    %c0_i32_0 = arith.constant 0 : i32
    return %arg0, %c0_i32 : i32, i32
  }
  func.func @transform_3(%arg0: i32) -> (i32, i32) {
    %c0_i32 = arith.constant 0 : i32
    %c0_i32_0 = arith.constant 0 : i32
    return %arg0, %c0_i32 : i32, i32
  }
  func.func @transform_4(%arg0: i32) -> (i32, i32) {
    %c0_i32 = arith.constant 0 : i32
    %c0_i32_0 = arith.constant 0 : i32
    return %arg0, %c0_i32 : i32, i32
  }
}

module attributes {stable_mosaic.version = 14 : i64} {
  func.func @_finish_body(%arg0: i32, %arg1: memref<8000x16xf32, #tpu.memory_space<vmem>>, %arg2: memref<8000x16xf32, #tpu.memory_space<vmem>>, %arg3: memref<1x1xf32, #tpu.memory_space<vmem>>, %arg4: memref<8000x1xf32, #tpu.memory_space<vmem>>, %arg5: memref<8000x1xf32, #tpu.memory_space<vmem>>) attributes {dimension_semantics = [#tpu.dimension_semantics<arbitrary>], iteration_bounds = array<i64: 40>, scalar_prefetch = 0 : i64, scratch_operands = 0 : i64, tpu.core_type = #tpu.core_type<tc>, window_params = [{transform_indices = @transform_0, window_bounds = array<i64: 8000, 16>}, {transform_indices = @transform_1, window_bounds = array<i64: 8000, 16>}, {pipeline_mode = #tpu.pipeline_mode<synchronous>, transform_indices = @transform_2, window_bounds = array<i64: 1, 1>}, {transform_indices = @transform_3, window_bounds = array<i64: 8000, 1>}, {transform_indices = @transform_4, window_bounds = array<i64: 8000, 1>}]} {
    %get3A = arith.constant 0 : index
    %get3A_0 = arith.constant 0 : index
    %get3A_1 = vector.load %arg3[%get3A, %get3A_0] : memref<1x1xf32, #tpu.memory_space<vmem>>, vector<1x1xf32>
    %get3A_2 = vector.extract %get3A_1[0, 0] : f32 from vector<1x1xf32>
    %get3A_3 = arith.constant 0 : index
    %get3A_4 = arith.constant 0 : index
    %get3A_5 = vector.load %arg1[%get3A_3, %get3A_4] : memref<8000x16xf32, #tpu.memory_space<vmem>>, vector<8000x16xf32>
    %reduce_sum3A = arith.constant dense<0.000000e+00> : vector<8000xf32>
    %reduce_sum3A_6 = vector.multi_reduction <add>, %get3A_5, %reduce_sum3A [1] : vector<8000x16xf32> to vector<8000xf32>
    %broadcast_in_dim3A = vector.shape_cast %reduce_sum3A_6 : vector<8000xf32> to vector<8000x1xf32>
    %add3A = vector.broadcast %get3A_2 : f32 to vector<8000x1xf32>
    %add3A_7 = arith.addf %broadcast_in_dim3A, %add3A : vector<8000x1xf32>
    %swap3A = arith.constant 0 : index
    %swap3A_8 = arith.constant 0 : index
    %swap3A_9 = vector.load %arg4[%swap3A, %swap3A_8] : memref<8000x1xf32, #tpu.memory_space<vmem>>, vector<8000x1xf32>
    tpu.vector_store %arg4[%swap3A, %swap3A_8], %add3A_7 {strides = array<i32>} : memref<8000x1xf32, #tpu.memory_space<vmem>>, vector<8000x1xf32>,
    %get3A_10 = arith.constant 0 : index
    %get3A_11 = arith.constant 0 : index
    %get3A_12 = vector.load %arg2[%get3A_10, %get3A_11] : memref<8000x16xf32, #tpu.memory_space<vmem>>, vector<8000x16xf32>
    %reduce_sum3A_13 = arith.constant dense<0.000000e+00> : vector<8000xf32>
    %reduce_sum3A_14 = vector.multi_reduction <add>, %get3A_12, %reduce_sum3A_13 [1] : vector<8000x16xf32> to vector<8000xf32>
    %broadcast_in_dim3A_15 = vector.shape_cast %reduce_sum3A_14 : vector<8000xf32> to vector<8000x1xf32>
    %add3A_16 = vector.broadcast %get3A_2 : f32 to vector<8000x1xf32>
    %add3A_17 = arith.addf %broadcast_in_dim3A_15, %add3A_16 : vector<8000x1xf32>
    %swap3A_18 = arith.constant 0 : index
    %swap3A_19 = arith.constant 0 : index
    %swap3A_20 = vector.load %arg5[%swap3A_18, %swap3A_19] : memref<8000x1xf32, #tpu.memory_space<vmem>>, vector<8000x1xf32>
    tpu.vector_store %arg5[%swap3A_18, %swap3A_19], %add3A_17 {strides = array<i32>} : memref<8000x1xf32, #tpu.memory_space<vmem>>, vector<8000x1xf32>,
    return
  }
  func.func @transform_0(%arg0: i32) -> (i32, i32) {
    %c0_i32 = arith.constant 0 : i32
    %c0_i32_0 = arith.constant 0 : i32
    return %arg0, %c0_i32 : i32, i32
  }
  func.func @transform_1(%arg0: i32) -> (i32, i32) {
    %c0_i32 = arith.constant 0 : i32
    %c0_i32_0 = arith.constant 0 : i32
    return %arg0, %c0_i32 : i32, i32
  }
  func.func @transform_2(%arg0: i32) -> (i32, i32) {
    %c0_i32 = arith.constant 0 : i32
    %c0_i32_0 = arith.constant 0 : i32
    %c0_i32_1 = arith.constant 0 : i32
    return %c0_i32, %c0_i32_0 : i32, i32
  }
  func.func @transform_3(%arg0: i32) -> (i32, i32) {
    %c0_i32 = arith.constant 0 : i32
    %c0_i32_0 = arith.constant 0 : i32
    return %arg0, %c0_i32 : i32, i32
  }
  func.func @transform_4(%arg0: i32) -> (i32, i32) {
    %c0_i32 = arith.constant 0 : i32
    %c0_i32_0 = arith.constant 0 : i32
    return %arg0, %c0_i32 : i32, i32
  }
}

</mosaic_0001>

<sc_bundles>
// kernel: kernel.10.cloned.1.call-start
scs
__scs_entry_jumppad:
0x0: {  	(pc) =	sbr.rel $0x88, $3  }
0x1: {  	(tag) =	ssettag $0x0;
	lr =	simm.s32 $0x1  }
0x2: {  	[smem:$0x3F9A] =	sst lr;
	_ =	strace $0xD0000000  }
0x3: {  	_ = 	snop  }
0x4: {  	_ = 	snop  }
0x5: {  	_ = 	snop  }
0x6: {  	_ = 	snop  }
0x7: {  	_ = 	snop  }
__scs_overlays_trampoline_lowered:
0x8: {  	[smem:$0x3FA9] =	sst s0  }
0x9: {  	[smem:$0x3FAA] =	sst s1  }
0xa: {  	[smem:$0x3FAB] =	sst s2  }
0xb: {  	[smem:$0x3FAC] =	sst s3  }
0xc: {  	[smem:$0x3FAD] =	sst s4  }
0xd: {  	[smem:$0x3FAE] =	sst s5  }
0xe: {  	[smem:$0x3FAF] =	sst s6  }
0xf: {  	[smem:$0x3FB0] =	sst s7  }
0x10: {  	[smem:$0x3FB1] =	sst s8  }
0x11: {  	[smem:$0x3FB2] =	sst s9;
	s0 =	simm.s32 @!p0 $0x0  }
0x12: {  	s1 =	sld [smem:$0x3F98];
	s0 =	simm.s32 @p0 $0x1  }
0x13: {  	[smem:$0x3FB3] =	sst s0;
	s0 =	simm.s32 @!p1 $0x0  }
0x14: {  	s2 =	sld [smem:$0x3F97];
	s0 =	simm.s32 @p1 $0x1  }
0x15: {  	[smem:$0x3FB4] =	sst s0;
	s0 =	simm.s32 @!p2 $0x0  }
0x16: {  	s3 =	sld [smem:$0x3FDB];
	s0 =	simm.s32 @p2 $0x1  }
0x17: {  	s4 =	simm.s32 $0x1BF5;
	[smem:$0x3FB6] =	sst s0  }
0x18: {  	s0 =	sld [smem:$0x3F99];
	_ =	swait.ge [sflag:s4], $0x0  }
0x19: {  	s7 =	sld [smem:$0x3F9A]  }
0x1a: {  	s8 =	sadd.s32 $0xFFFFE003, lr  }
0x1b: {  	s9 =	sadd.s32 $0xFFFFFEF7, lr;
	s5 =	simm.s32 $0xFFFFFFFF;
	p2 =	slt.u32 s8, $0xFFFFF086  }
0x1c: {  	p1 =	slt.u32 s9, $0xF7A;
	s5 =	simm.s32 @!p2 $0x0  }
0x1d: {  	s5 =	simm.s32 @p1 $0x1;
	p0 =	seq.s32 s7, s2  }
0x1e: {  	s7 =	smul.u32 @!p0 $0xF7A, s2;
	p2 =	seq.s32 @!p0 s5, $0x0  }
0x1f: {  	s9 =	smul.u32 $0xF7A, s1;
	s8 =	simm.s32 @!p0 $0x1BF5;
	p2 =	por !p2, p0  }
0x20: {  	[sflag:s8] =	ssyncset.s32 @!p0 $0xFFFFF086;
	s6 =	sadd.s32 @!p0 s3, s7;
	s7 =	simm.s32 @!p0 $0x108  }
0x21: {  	s3 =	sadd.s32 s3, s9;
	s6 =	sadd.s32 @!p0 $0x88, s6;
	s7 =	simm.s32 @p2 $0x1082  }
0x22: {  	[simem:s7], [sflag:s8] =	dma.local @!p0 [hbm:s6], $0xF7A  }
0x23: {  	s9 =	sor.u32 $0xD0000000, s2;
	s6 =	simm.s32 $0x108;
	_ =	swait.ge @!p0 [sflag:s8], $0x0  }
0x24: {  	s3 =	sadd.s32 $0x88, s3;
	s6 =	simm.s32 @!p1 $0x1082;
	[sflag:s4] =	ssyncset.s32 $0xFFFFF086  }
0x25: {  	[simem:s6], [sflag:s4] =	dma.local [hbm:s3], $0xF7A  }
0x26: {  	[smem:$0x3F9A] =	sst s1;
	(tag) =	ssettag s2;
	_ =	strace s9  }
0x27: {  	s1 =	sld [smem:$0x3FAA]  }
0x28: {  	s2 =	sld [smem:$0x3FAB]  }
0x29: {  	s4 =	sld [smem:$0x3FAD]  }
0x2a: {  	p0 =	seq.s32 s5, $0x0;
	s5 =	sld [smem:$0x3FAE]  }
0x2b: {  	s6 =	sld [smem:$0x3FAF]  }
0x2c: {  	s7 =	sld [smem:$0x3FB0]  }
0x2d: {  	s3 =	simm.s32 $0x108;
	s8 =	sld [smem:$0x3FB1]  }
0x2e: {  	s3 =	simm.s32 @!p0 $0x1082;
	s9 =	sld [smem:$0x3FB2]  }
0x2f: {  	lr =	sadd.s32 s0, s3;
	s0 =	sld [smem:$0x3FA9]  }
0x30: {  	s3 =	sld [smem:$0x3FAC]  }
0x31: {  	[smem:$0x3FB5] =	sst s10  }
0x32: {  	s10 =	sld [smem:$0x3FB3];
	_ =	sdelay $0x3  }
0x33: {  	p0 =	seq.s32 s10, $0x1;
	s10 =	sld [smem:$0x3FB5];
	_ =	sdelay $0x3  }
0x34: {  	[smem:$0x3FB5] =	sst s10  }
0x35: {  	s10 =	sld [smem:$0x3FB4];
	_ =	sdelay $0x3  }
0x36: {  	p1 =	seq.s32 s10, $0x1;
	s10 =	sld [smem:$0x3FB5];
	_ =	sdelay $0x3  }
0x37: {  	[smem:$0x3FB5] =	sst s10  }
0x38: {  	s10 =	sld [smem:$0x3FB6]  }
0x39: {  	_ = 	snop;
	(pc) =	sbr.ind lr, $3  }
0x3a: {  	_ = 	snop  }
0x3b: {  	_ = 	snop  }
0x3c: {  	p2 =	seq.s32 s10, $0x1;
	s10 =	sld [smem:$0x3FB5]  }
0x3d: {  	_ =	shalt  }
0x3e: {  	_ =	shalt  }
0x3f: {  	_ =	shalt  }
0x40: {  	_ =	shalt  }
0x41: {  	_ =	shalt  }
0x42: {  	_ =	shalt  }
0x43: {  	_ =	shalt  }
0x44: {  	_ =	shalt  }
0x45: {  	_ =	shalt  }
0x46: {  	_ =	shalt  }
0x47: {  	_ =	shalt  }
0x48: {  	_ =	shalt  }
0x49: {  	_ =	shalt  }
0x4a: {  	_ =	shalt  }
0x4b: {  	_ =	shalt  }
0x4c: {  	_ =	shalt  }
0x4d: {  	_ =	shalt  }
0x4e: {  	_ =	shalt  }
0x4f: {  	_ =	shalt  }
0x50: {  	_ =	shalt  }
0x51: {  	_ =	shalt  }
0x52: {  	_ =	shalt  }
0x53: {  	_ =	shalt  }
0x54: {  	_ =	shalt  }
0x55: {  	_ =	shalt  }
0x56: {  	_ =	shalt  }
0x57: {  	_ =	shalt  }
0x58: {  	_ =	shalt  }
0x59: {  	_ =	shalt  }
0x5a: {  	_ =	shalt  }
0x5b: {  	_ =	shalt  }
0x5c: {  	_ =	shalt  }
0x5d: {  	_ =	shalt  }
0x5e: {  	_ =	shalt  }
0x5f: {  	_ =	shalt  }
0x60: {  	_ =	shalt  }
0x61: {  	_ =	shalt  }
0x62: {  	_ =	shalt  }
0x63: {  	_ =	shalt  }
0x64: {  	_ =	shalt  }
0x65: {  	_ =	shalt  }
0x66: {  	_ =	shalt  }
0x67: {  	_ =	shalt  }
0x68: {  	_ =	shalt  }
0x69: {  	_ =	shalt  }
0x6a: {  	_ =	shalt  }
0x6b: {  	_ =	shalt  }
0x6c: {  	_ =	shalt  }
0x6d: {  	_ =	shalt  }
0x6e: {  	_ =	shalt  }
0x6f: {  	_ =	shalt  }
0x70: {  	_ =	shalt  }
0x71: {  	_ =	shalt  }
0x72: {  	_ =	shalt  }
0x73: {  	_ =	shalt  }
0x74: {  	_ =	shalt  }
0x75: {  	_ =	shalt  }
0x76: {  	_ =	shalt  }
0x77: {  	_ =	shalt  }
0x78: {  	_ =	shalt  }
0x79: {  	_ =	shalt  }
0x7a: {  	_ =	shalt  }
0x7b: {  	_ =	shalt  }
0x7c: {  	_ =	shalt  }
0x7d: {  	_ =	shalt  }
0x7e: {  	_ =	shalt  }
0x7f: {  	_ =	shalt  }
0x80: {  	_ =	shalt  }
0x81: {  	_ =	shalt  }
0x82: {  	_ =	shalt  }
0x83: {  	_ =	shalt  }
0x84: {  	_ =	shalt  }
0x85: {  	_ =	shalt  }
0x86: {  	_ =	shalt  }
0x87: {  	_ =	shalt  }
.Lfunc_end0:
.L_simem_size_0:
called_computation.1_lowered:
.L_overlay_start_0:
0x88: {  	s2 =	sld [smem:$0x3FD9]  }
0x89: {  	s3 =	sld [smem:$0x3FFE];
	_ =	sdelay $0x1  }
0x8a: {  	s1 =	srdreg.scid  }
0x8b: {  	s0 =	sand.u32 $0x1, s1  }
0x8c: {  	s17 =	sshll.u32 s0, $0xA;
	s2 =	sadd.s32 s3, s2  }
0x8d: {  	s2 =	sadd.s32 s2, s17  }
0x8e: {  	[smem:$0x3FC1] =	sst s2  }
0x8f: {  	_ = 	snop  }
0x90: {  	s2 =	sld [smem:$0x3FC4];
	(tm) =	ssettm $0x1  }
0x91: {  	s18 =	sld [smem:$0x3FFB];
	_ =	sdelay $0x3  }
0x92: {  	_ =	strace s18  }
0x93: {  	s3 =	sld [smem:$0x3FFC];
	_ =	sdelay $0x3  }
0x94: {  	_ =	strace s3  }
0x95: {  	s3 =	sld [smem:$0x3FFD];
	_ =	sdelay $0x3  }
0x96: {  	_ =	strace s3  }
0x97: {  	_ =	strace $0x8FFFFFFF  }
0x98: {  	s19 =	sld [smem:$0x3FDB];
	_ =	sdelay $0x1  }
0x99: {  	s4 =	simm.s32 $_scs_section_size  }
0x9a: {  	s5 =	simm.s32 $_size__tile_overlayer_lowered;
	s6 =	simm.s32 $_tile_overlayer_lowered  }
0x9b: {  	s22 =	simm.s32 $0x1BFF;
	s21 =	sshll.u32 s6, $0x1;
	s3 =	sadd.s32 s4, s19  }
0x9c: {  	s7 =	simm.s32 $0x0;
	s20 =	sshll.u32 s5, $0x1;
	s5 =	sadd.s32 s21, s3  }
0x9d: {  	[timem:s7], [sflag:s22] =	dma.local [hbm:s5], s20  }
0x9e: {  	_ =	swait.ge [sflag:s22], s20  }
0x9f: {  	s4 =	ssub.s32 $0x0, s20;
	[sflag:s22] =	ssyncset.done $0x0  }
0xa0: {  	[sflag:s22] =	ssyncadd.s32 s4;
	_ =	sdelay $0x1  }
0xa1: {  	s23 =	simm.s32 $0x1B8B  }
0xa2: {  	_ =	swait.ge [sflag:s23], $0x1  }
0xa3: {  	[sflag:s23] =	ssyncset.done $0x0  }
0xa4: {  	s25 =	simm.s32 $0x1B8E;
	s24 =	sld [smem:$0x3FFE];
	[sflag:s23] =	ssyncadd.s32 $0xFFFFFFFF  }
0xa5: {  	s26 =	simm.s32 $execute0_lowered;
	[smem:$0x3FD2] =	sst s25  }
0xa6: {  	s5 =	sshll.u32 s26, $0x1;
	_ =	strace $0x80000049;
	[dreg:$0x1] =	wrdreg $0xFFFFFFFF  }
0xa7: {  	s28 =	simm.s32 $_size_execute0_lowered;
	s3 =	sadd.s32 s3, s5;
	[dreg:$0x0] =	wrdreg $0x0  }
0xa8: {  	s5 =	sshll.u32 s28, $0x1;
	[dreg:$0x2] =	wrdreg s3  }
0xa9: {  	[dreg:$0x3] =	wrdreg s5  }
0xaa: {  	[dreg:$0x4] =	wrdreg $0xC0  }
0xab: {  	_ =	task [dreg:s7], $0x5FFFF  }
0xac: {  	[dreg:$0x1] =	wrdreg $0xFFFFFFFF  }
0xad: {  	[dreg:$0x0] =	wrdreg $0x60  }
0xae: {  	[dreg:$0x2] =	wrdreg s24  }
0xaf: {  	[dreg:$0x3] =	wrdreg s2  }
0xb0: {  	[dreg:$0x4] =	wrdreg $0x9  }
0xb1: {  	_ =	task.clear_ibuf [dreg:s7], $0x5FFFF;
	_ =	strace $0x90000049  }
0xb2: {  	s29 =	simm.s32 $0x9;
	_ =	strace $0x8000004B  }
0xb3: {  	_ =	swait.ge [sflag:s29], $0x1  }
0xb4: {  	[sflag:s29] =	ssyncadd.s32 $0xFFFFFFFF  }
0xb5: {  	_ =	strace $0x9000004B  }
0xb6: {  	_ =	sfence  }
0xb7: {  	s30 =	sld [smem:$0x0];
	_ =	sdelay $0x2  }
0xb8: {  	s31 =	sshll.u32 s1, $0xD;
	s1 =	sshrl.u32 s1, $0x2  }
0xb9: {  	s3 =	sand.u32 $0x4000, s31;
	s1 =	sadd.s32 s1, s30  }
0xba: {  	s0 =	sor.u32 s3, s0;
	s1 =	sshll.u32 s1, $0x11  }
0xbb: {  	s0 =	sor.u32 s1, s0  }
0xbc: {  	s0 =	sadd.s32 $0x8F2B, s0  }
0xbd: {  	[sflag:s0] =	ssyncadd.remote.s32 $0x1  }
0xbe: {  	_ =	sfence.sel $0xFFFF  }
0xbf: {  	[dreg:$0x0] =	wrdreg $0xFFFFFFFF;
	(pc) =	sbr.abs _section_cstart, $3  }
0xc0: {  	[dreg:$0x1] =	wrdreg $0xFFFFFFFF  }
0xc1: {  	_ =	task.clear_ibuf [dreg:s7], $0x2FFFF;
	_ =	strace $0x9FFFFFFF  }
0xc2: {  	(tm) =	ssettm $0x7FFFFFFF  }
0xc3: {  	_ =	shalt  }
tec
execute0_lowered:
.L_overlay_start_1:
0x0: {  	(tag) =	ssettag $0x1  }
0x1: {  	s0 =	rddreg [dreg:$0x0]  }
0x2: {  	s1 =	rddreg [dreg:$0x1];
	s2 =	simm.s32 $0x0  }
0x3: {  	s3 =	srdreg.scid;
	s8 =	stileid.u32;
	s12 =	simm.s32 $0x5  }
0x4: {  	s13 =	simm.s32 $0x80;
	s14 =	simm.s32 $0x28;
	s15 =	simm.s32 $0x200  }
0x5: {  	s16 =	simm.s32 $0x1600;
	s17 =	simm.s32 $0x100;
	s18 =	simm.s32 $0x180  }
0x6: {  	s19 =	simm.s32 $0x2A00;
	s20 =	simm.s32 $0x3E00;
	s21 =	simm.s32 $0x1  }
0x7: {  	s22 =	simm.s32 $0x2;
	s23 =	simm.s32 $0x5200;
	s24 =	simm.s32 $0x3  }
0x8: {  	s25 =	simm.s32 $0x4;
	s26 =	simm.s32 $0x0;
	[smem:$0x7FF] =	sst s2  }
0x9: {  	s4 =	sadd.s32 $0x3D200, s0;
	s5 =	sadd.s32 $0x16000, s0;
	s3 =	sand.u32 $0x1, s3  }
0xa: {  	s6 =	sadd.s32 $0xC200, s0;
	s7 =	sadd.s32 $0x2400, s0;
	s9 =	ssub.s32 $0x2, s3  }
0xb: {  	s11 =	sshll.u32 s8, $0x1;
	s8 =	sadd.s32 $0x5A0400, s0;
	s10 =	sshrl.u32 s9, $0x1  }
0xc: {  	_ =	strace $0x8000004A;
	s3 =	sor.u32 s3, s11;
	s31 =	ssub.s32 s9, s10  }
0xd: {  	s11 =	simm.s32 $0x6600;
	s9 =	smul.u32 $0x2710, s3;
	s10 =	smax.u32 s31, $0x1  }
.LBB2_1:
0xe: {  	[tilespmem:s11], [sflag:$0x5] =	stream.linear.gather [hbm4b:s1+s2], $0x80, $0x38;
	[tilespmem:$0x6680] =	vst v63  }
0xf: {  	_ =	swait.ge [sflag:s12], $0x80  }
0x10: {  	[sflag:s12] =	ssyncset.done $0x0  }
0x11: {  	s28 =	simm.s32 $0x0;
	[sflag:s12] =	ssyncadd.s32 $0xFFFFFF80  }
.LBB2_2:
0x12: {  	s0 =	smul.u32 $0x50, s28;
	_ =	sdelay $0x1  }
0x13: {  	s30 =	sadd.s32 s9, s0  }
0x14: {  	s0 =	sshrl.u32 s30, $0x3  }
0x15: {  	s31 =	simm.s32 $0x0;
	s3 =	sadd.s32 s6, s0  }
0x16: {  	[tilespmem:s31], [sflag:$0x5] =	stream.linear.gather [hbm4b:s3+s31], $0x28, $0x38;
	[tilespmem:$0x6680] =	vst v63  }
0x17: {  	_ =	swait.ge [sflag:s12], $0x28  }
0x18: {  	[sflag:s12] =	ssyncset.done $0x0  }
0x19: {  	s0 =	sadd.s32 s7, s0;
	[sflag:s12] =	ssyncadd.s32 $0xFFFFFFD8  }
0x1a: {  	[tilespmem:s13], [sflag:$0x5] =	stream.linear.gather [hbm4b:s0+s31], $0x28, $0x38;
	[tilespmem:$0x6680] =	vst v63  }
0x1b: {  	_ =	swait.ge [sflag:s12], $0x28  }
0x1c: {  	[sflag:s12] =	ssyncset.done $0x0  }
0x1d: {  	s29 =	sadd.s32 $0x28, s30;
	[sflag:s12] =	ssyncadd.s32 $0xFFFFFFD8  }
0x1e: {  	[tilespmem:s15], [sflag:$0x1] =	stream.indirect.gather [hbm4b:s4+s14], $0x80, s31, s14, $0xb8;
	[tilespmem:$0x6680] =	vst v63  }
0x1f: {  	s0 =	sshrl.u32 s29, $0x3  }
0x20: {  	[tilespmem:s16], [sflag:$0x2] =	stream.indirect.gather [hbm4b:s5+s14], $0x80, s13, s14, $0xb8;
	[tilespmem:$0x6680] =	vst v63  }
0x21: {  	s3 =	sadd.s32 s6, s0  }
0x22: {  	[tilespmem:s17], [sflag:$0x5] =	stream.linear.gather [hbm4b:s3+s31], $0x28, $0x38;
	[tilespmem:$0x6680] =	vst v63  }
0x23: {  	_ =	swait.ge [sflag:s12], $0x28  }
0x24: {  	[sflag:s12] =	ssyncset.done $0x0  }
0x25: {  	s0 =	sadd.s32 s7, s0;
	[sflag:s12] =	ssyncadd.s32 $0xFFFFFFD8  }
0x26: {  	[tilespmem:s18], [sflag:$0x5] =	stream.linear.gather [hbm4b:s0+s31], $0x28, $0x38;
	[tilespmem:$0x6680] =	vst v63  }
0x27: {  	_ =	swait.ge [sflag:s12], $0x28  }
0x28: {  	[sflag:s12] =	ssyncset.done $0x0  }
0x29: {  	[sflag:s12] =	ssyncadd.s32 $0xFFFFFFD8  }
0x2a: {  	[tilespmem:s19], [sflag:$0x3] =	stream.indirect.gather [hbm4b:s4+s14], $0x80, s17, s14, $0xb8;
	[tilespmem:$0x6680] =	vst v63  }
0x2b: {  	_ = 	snop  }
0x2c: {  	[tilespmem:s20], [sflag:$0x4] =	stream.indirect.gather [hbm4b:s5+s14], $0x80, s18, s14, $0xb8;
	[tilespmem:$0x6680] =	vst v63  }
0x2d: {  	_ =	swait.ge [sflag:s21], $0x1400  }
0x2e: {  	[sflag:s21] =	ssyncset.done $0x0  }
0x2f: {  	[sflag:s21] =	ssyncadd.s32 $0xFFFFEC00  }
0x30: {  	_ =	swait.ge [sflag:s22], $0x1400  }
0x31: {  	[sflag:s22] =	ssyncset.done $0x0  }
0x32: {  	s31 =	simm.s32 $0x0;
	[sflag:s22] =	ssyncadd.s32 $0xFFFFEC00  }
0x33: {  	v3 =	vld [tilespmem:s31+$0x270]  }
0x34: {  	v1 =	vld [tilespmem:s31+$0x260]  }
0x35: {  	v0 =	vld [tilespmem:s31+$0x250]  }
0x36: {  	v2 =	vld [tilespmem:s31+$0x240]  }
0x37: {  	v4 =	vld [tilespmem:s31+$0x230]  }
0x38: {  	v5 =	vld [tilespmem:s31+$0x220]  }
0x39: {  	v6 =	vld [tilespmem:s31+$0x200]  }
0x3a: {  	v7 =	vld [tilespmem:s31+$0x1600]  }
0x3b: {  	v8 =	vld [tilespmem:s31+$0x210]  }
0x3c: {  	v9 =	vld [tilespmem:s31+$0x1610]  }
0x3d: {  	v10 =	vld [tilespmem:$0x6600]  }
0x3e: {  	v11 =	vld [tilespmem:s31+$0x1620]  }
0x3f: {  	v12 =	vld [tilespmem:$0x6610];
	v6 =	vadd.f32 v7, v6  }
0x40: {  	v7 =	vld [tilespmem:s31+$0x1630]  }
0x41: {  	v13 =	vld [tilespmem:$0x6620];
	v8 =	vadd.f32 v9, v8;
	v6 =	vmax.f32 v6, $0.0e+00  }
0x42: {  	v9 =	vld [tilespmem:s31+$0x1640];
	v6 =	vmul.f32 v6, v10  }
0x43: {  	v5 =	vadd.f32 v11, v5;
	v8 =	vmax.f32 v8, $0.0e+00;
	v10 =	vld [tilespmem:$0x6630]  }
0x44: {  	v11 =	vld [tilespmem:s31+$0x1650];
	v8 =	vmul.f32 v8, v12;
	v6 =	vadd.f32 $0.0e+00, v6  }
0x45: {  	v63 =	vld [tilespmem:$0x6640];
	v5 =	vmax.f32 v5, $0.0e+00;
	v4 =	vadd.f32 v7, v4  }
0x46: {  	v5 =	vmul.f32 v5, v13;
	v7 =	vld [tilespmem:s31+$0x1660];
	v6 =	vadd.f32 v8, v6  }
0x47: {  	v2 =	vadd.f32 v9, v2;
	v8 =	vld [tilespmem:$0x6650];
	v4 =	vmax.f32 v4, $0.0e+00  }
0x48: {  	v9 =	vld [tilespmem:s31+$0x1670];
	v4 =	vmul.f32 v4, v10;
	v5 =	vadd.f32 v5, v6  }
0x49: {  	s0 =	simm.s32 $0x80;
	v2 =	vmax.f32 v2, $0.0e+00;
	v10 =	vadd.f32 v11, v0;
	v6 =	vld [tilespmem:$0x6660]  }
0x4a: {  	v0 =	vld [tilespmem:s0+$0x270];
	v2 =	vmul.f32 v2, v63;
	v4 =	vadd.f32 v4, v5  }
0x4b: {  	v11 =	vld [tilespmem:$0x6670];
	v7 =	vadd.f32 v7, v1;
	v5 =	vmax.f32 v10, $0.0e+00  }
0x4c: {  	v1 =	vld [tilespmem:s0+$0x260];
	v5 =	vmul.f32 v5, v8;
	v4 =	vadd.f32 v2, v4  }
0x4d: {  	v7 =	vmax.f32 v7, $0.0e+00;
	v8 =	vadd.f32 v9, v3;
	v3 =	vld [tilespmem:s0+$0x240]  }
0x4e: {  	v2 =	vld [tilespmem:s0+$0x250];
	v6 =	vmul.f32 v7, v6;
	v9 =	vadd.f32 v5, v4  }
0x4f: {  	v8 =	vmax.f32 v8, $0.0e+00;
	v4 =	vld [tilespmem:s0+$0x230]  }
0x50: {  	v5 =	vld [tilespmem:s0+$0x220];
	v8 =	vmul.f32 v8, v11;
	v7 =	vadd.f32 v6, v9  }
0x51: {  	s3 =	simm.s32 $0x400;
	v6 =	vld [tilespmem:s0+$0x200]  }
.LBB2_3:
0x52: {  	p0 =	sne.s32 s3, $0x4E00;
	v9 =	vld [tilespmem:s0+$0x1600];
	v7 =	vadd.f32 v8, v7  }
0x53: {  	v8 =	vld [tilespmem:s0+$0x210]  }
0x54: {  	v10 =	vld [tilespmem:s0+$0x1610];
	[tilespmem:s31+$0x5200] =	vst v7;
	s31 =	smov.u32 s0  }
0x55: {  	v7 =	vld [tilespmem:$0x6600]  }
0x56: {  	v11 =	vld [tilespmem:s31+$0x1620]  }
0x57: {  	v6 =	vadd.f32 v9, v6;
	v9 =	vld [tilespmem:$0x6610]  }
0x58: {  	v12 =	vld [tilespmem:s31+$0x1630]  }
0x59: {  	v6 =	vmax.f32 v6, $0.0e+00;
	v8 =	vadd.f32 v10, v8;
	v10 =	vld [tilespmem:$0x6620]  }
0x5a: {  	v6 =	vmul.f32 v6, v7;
	v7 =	vld [tilespmem:s31+$0x1640]  }
0x5b: {  	v8 =	vmax.f32 v8, $0.0e+00;
	v5 =	vadd.f32 v11, v5;
	v11 =	vld [tilespmem:$0x6630]  }
0x5c: {  	v6 =	vadd.f32 $0.0e+00, v6;
	v8 =	vmul.f32 v8, v9;
	v9 =	vld [tilespmem:s31+$0x1650]  }
0x5d: {  	v5 =	vmax.f32 v5, $0.0e+00;
	v4 =	vadd.f32 v12, v4;
	v12 =	vld [tilespmem:$0x6640]  }
0x5e: {  	v6 =	vadd.f32 v8, v6;
	v5 =	vmul.f32 v5, v10;
	v8 =	vld [tilespmem:s31+$0x1660]  }
0x5f: {  	v4 =	vmax.f32 v4, $0.0e+00;
	v3 =	vadd.f32 v7, v3;
	v7 =	vld [tilespmem:$0x6650]  }
0x60: {  	v5 =	vadd.f32 v5, v6;
	v4 =	vmul.f32 v4, v11;
	v6 =	vld [tilespmem:s31+$0x1670]  }
0x61: {  	s0 =	sshra.s32 s3, $0x2;
	v3 =	vmax.f32 v3, $0.0e+00;
	v2 =	vadd.f32 v9, v2;
	v9 =	vld [tilespmem:$0x6660]  }
0x62: {  	v10 =	vld [tilespmem:s0+$0x270];
	v4 =	vadd.f32 v4, v5;
	v3 =	vmul.f32 v3, v12  }
0x63: {  	v2 =	vmax.f32 v2, $0.0e+00;
	v5 =	vadd.f32 v8, v1;
	v8 =	vld [tilespmem:$0x6670]  }
0x64: {  	v1 =	vld [tilespmem:s0+$0x260];
	v4 =	vadd.f32 v3, v4;
	v7 =	vmul.f32 v2, v7  }
.Ltmp0:
0x65: {  	v2 =	vld [tilespmem:s0+$0x250];
	v5 =	vmax.f32 v5, $0.0e+00;
	v11 =	vadd.f32 v6, v0;
	(pc) =	sbr.rel @p0 .LBB2_3-.Ltmp0, $4  }
0x66: {  	v3 =	vld [tilespmem:s0+$0x240];
	v6 =	vadd.f32 v7, v4;
	v7 =	vmul.f32 v5, v9  }
0x67: {  	v4 =	vld [tilespmem:s0+$0x230];
	v9 =	vmax.f32 v11, $0.0e+00;
	v0 =	vmov v10  }
0x68: {  	v5 =	vld [tilespmem:s0+$0x220];
	v7 =	vadd.f32 v7, v6;
	v8 =	vmul.f32 v9, v8  }
0x69: {  	s3 =	sadd.s32 $0x200, s3;
	v6 =	vld [tilespmem:s0+$0x200]  }
0x6a: {  	v9 =	vld [tilespmem:s0+$0x1600];
	v7 =	vadd.f32 v8, v7  }
0x6b: {  	v8 =	vld [tilespmem:s0+$0x210]  }
0x6c: {  	v10 =	vld [tilespmem:s0+$0x1610];
	[tilespmem:s31+$0x5200] =	vst v7  }
0x6d: {  	v7 =	vld [tilespmem:$0x6600]  }
0x6e: {  	v11 =	vld [tilespmem:s0+$0x1620]  }
0x6f: {  	v6 =	vadd.f32 v9, v6;
	v9 =	vld [tilespmem:$0x6610]  }
0x70: {  	v12 =	vld [tilespmem:s0+$0x1630]  }
0x71: {  	v8 =	vadd.f32 v10, v8;
	v10 =	vld [tilespmem:$0x6620];
	v6 =	vmax.f32 v6, $0.0e+00  }
0x72: {  	v6 =	vmul.f32 v6, v7;
	v7 =	vld [tilespmem:s0+$0x1640]  }
0x73: {  	v8 =	vmax.f32 v8, $0.0e+00;
	v5 =	vadd.f32 v11, v5;
	v11 =	vld [tilespmem:$0x6630]  }
0x74: {  	v6 =	vadd.f32 $0.0e+00, v6;
	v8 =	vmul.f32 v8, v9;
	v9 =	vld [tilespmem:s0+$0x1650]  }
0x75: {  	v61 =	vld [tilespmem:$0x6640];
	v4 =	vadd.f32 v12, v4;
	v5 =	vmax.f32 v5, $0.0e+00  }
0x76: {  	v5 =	vmul.f32 v5, v10;
	v6 =	vadd.f32 v8, v6;
	v8 =	vld [tilespmem:s0+$0x1660]  }
0x77: {  	v4 =	vmax.f32 v4, $0.0e+00;
	v3 =	vadd.f32 v7, v3;
	v7 =	vld [tilespmem:$0x6650]  }
0x78: {  	v4 =	vmul.f32 v4, v11;
	v5 =	vadd.f32 v5, v6;
	v6 =	vld [tilespmem:s0+$0x1670]  }
0x79: {  	v3 =	vmax.f32 v3, $0.0e+00;
	v2 =	vadd.f32 v9, v2;
	v9 =	vld [tilespmem:$0x6660]  }
0x7a: {  	v4 =	vadd.f32 v4, v5;
	v3 =	vmul.f32 v3, v61  }
0x7b: {  	v5 =	vld [tilespmem:$0x6670];
	v2 =	vmax.f32 v2, $0.0e+00;
	v1 =	vadd.f32 v8, v1  }
0x7c: {  	v3 =	vadd.f32 v3, v4;
	v2 =	vmul.f32 v2, v7  }
0x7d: {  	v1 =	vmax.f32 v1, $0.0e+00;
	v0 =	vadd.f32 v6, v0  }
0x7e: {  	v2 =	vadd.f32 v2, v3;
	v1 =	vmul.f32 v1, v9  }
0x7f: {  	v0 =	vmax.f32 v0, $0.0e+00  }
0x80: {  	v1 =	vadd.f32 v1, v2;
	v0 =	vmul.f32 v0, v5;
	_ =	sdelay $0x1  }
0x81: {  	v0 =	vadd.f32 v0, v1  }
0x82: {  	s3 =	sshll.u32 s30, $0x4  }
0x83: {  	s3 =	sadd.s32 s8, s3;
	s31 =	simm.s32 $0x0;
	[tilespmem:s0+$0x5200] =	vst v0  }
0x84: {  	[hbm4b:s3+s31] =	stream.linear.scatter [tilespmem:s23], [sflag:$0x5], $0x1400, $0x38;
	[tilespmem:$0x6680] =	vst v63  }
0x85: {  	_ =	swait.ge [sflag:s12], $0x1400  }
0x86: {  	[sflag:s12] =	ssyncset.done $0x0  }
0x87: {  	[sflag:s12] =	ssyncadd.s32 $0xFFFFEC00  }
0x88: {  	_ =	swait.ge [sflag:s24], $0x1400  }
0x89: {  	[sflag:s24] =	ssyncset.done $0x0  }
0x8a: {  	[sflag:s24] =	ssyncadd.s32 $0xFFFFEC00  }
0x8b: {  	_ =	swait.ge [sflag:s25], $0x1400  }
0x8c: {  	[sflag:s25] =	ssyncset.done $0x0  }
0x8d: {  	s30 =	simm.s32 $0x0;
	[sflag:s25] =	ssyncadd.s32 $0xFFFFEC00  }
0x8e: {  	v3 =	vld [tilespmem:s30+$0x2A70]  }
0x8f: {  	v1 =	vld [tilespmem:s30+$0x2A60]  }
0x90: {  	v0 =	vld [tilespmem:s30+$0x2A50]  }
0x91: {  	v2 =	vld [tilespmem:s30+$0x2A40]  }
0x92: {  	v4 =	vld [tilespmem:s30+$0x2A30]  }
0x93: {  	v5 =	vld [tilespmem:s30+$0x2A20]  }
0x94: {  	v6 =	vld [tilespmem:s30+$0x2A00]  }
0x95: {  	v7 =	vld [tilespmem:s30+$0x3E00]  }
0x96: {  	v8 =	vld [tilespmem:s30+$0x2A10]  }
0x97: {  	v9 =	vld [tilespmem:s30+$0x3E10]  }
0x98: {  	v10 =	vld [tilespmem:$0x6600]  }
0x99: {  	v11 =	vld [tilespmem:s30+$0x3E20]  }
0x9a: {  	v62 =	vld [tilespmem:$0x6610];
	v6 =	vadd.f32 v7, v6  }
0x9b: {  	v7 =	vld [tilespmem:s30+$0x3E30]  }
0x9c: {  	v13 =	vld [tilespmem:$0x6620];
	v8 =	vadd.f32 v9, v8;
	v6 =	vmax.f32 v6, $0.0e+00  }
0x9d: {  	v9 =	vld [tilespmem:s30+$0x3E40];
	v6 =	vmul.f32 v6, v10  }
0x9e: {  	v5 =	vadd.f32 v11, v5;
	v8 =	vmax.f32 v8, $0.0e+00;
	v10 =	vld [tilespmem:$0x6630]  }
0x9f: {  	v11 =	vld [tilespmem:s30+$0x3E50];
	v8 =	vmul.f32 v8, v62;
	v6 =	vadd.f32 $0.0e+00, v6  }
0xa0: {  	v63 =	vld [tilespmem:$0x6640];
	v5 =	vmax.f32 v5, $0.0e+00;
	v4 =	vadd.f32 v7, v4  }
0xa1: {  	v5 =	vmul.f32 v5, v13;
	v7 =	vld [tilespmem:s30+$0x3E60];
	v6 =	vadd.f32 v8, v6  }
0xa2: {  	v2 =	vadd.f32 v9, v2;
	v8 =	vld [tilespmem:$0x6650];
	v4 =	vmax.f32 v4, $0.0e+00  }
0xa3: {  	v9 =	vld [tilespmem:s30+$0x3E70];
	v4 =	vmul.f32 v4, v10;
	v5 =	vadd.f32 v5, v6  }
0xa4: {  	s0 =	simm.s32 $0x80;
	v2 =	vmax.f32 v2, $0.0e+00;
	v10 =	vadd.f32 v11, v0;
	v6 =	vld [tilespmem:$0x6660]  }
0xa5: {  	v0 =	vld [tilespmem:s0+$0x2A70];
	v2 =	vmul.f32 v2, v63;
	v4 =	vadd.f32 v4, v5  }
0xa6: {  	v11 =	vld [tilespmem:$0x6670];
	v7 =	vadd.f32 v7, v1;
	v5 =	vmax.f32 v10, $0.0e+00  }
0xa7: {  	v1 =	vld [tilespmem:s0+$0x2A60];
	v5 =	vmul.f32 v5, v8;
	v4 =	vadd.f32 v2, v4  }
0xa8: {  	v7 =	vmax.f32 v7, $0.0e+00;
	v8 =	vadd.f32 v9, v3;
	v3 =	vld [tilespmem:s0+$0x2A40]  }
0xa9: {  	v2 =	vld [tilespmem:s0+$0x2A50];
	v6 =	vmul.f32 v7, v6;
	v9 =	vadd.f32 v5, v4  }
0xaa: {  	v8 =	vmax.f32 v8, $0.0e+00;
	v4 =	vld [tilespmem:s0+$0x2A30]  }
0xab: {  	v5 =	vld [tilespmem:s0+$0x2A20];
	v8 =	vmul.f32 v8, v11;
	v7 =	vadd.f32 v6, v9  }
0xac: {  	s3 =	simm.s32 $0x400;
	v6 =	vld [tilespmem:s0+$0x2A00]  }
.LBB2_5:
0xad: {  	p0 =	sne.s32 s3, $0x4E00;
	v9 =	vld [tilespmem:s0+$0x3E00];
	v7 =	vadd.f32 v8, v7  }
0xae: {  	v8 =	vld [tilespmem:s0+$0x2A10]  }
0xaf: {  	v10 =	vld [tilespmem:s0+$0x3E10];
	[tilespmem:s30+$0x5200] =	vst v7;
	s30 =	smov.u32 s0  }
0xb0: {  	v7 =	vld [tilespmem:$0x6600]  }
0xb1: {  	v11 =	vld [tilespmem:s30+$0x3E20]  }
0xb2: {  	v6 =	vadd.f32 v9, v6;
	v9 =	vld [tilespmem:$0x6610]  }
0xb3: {  	v12 =	vld [tilespmem:s30+$0x3E30]  }
0xb4: {  	v6 =	vmax.f32 v6, $0.0e+00;
	v8 =	vadd.f32 v10, v8;
	v10 =	vld [tilespmem:$0x6620]  }
0xb5: {  	v6 =	vmul.f32 v6, v7;
	v7 =	vld [tilespmem:s30+$0x3E40]  }
0xb6: {  	v8 =	vmax.f32 v8, $0.0e+00;
	v5 =	vadd.f32 v11, v5;
	v11 =	vld [tilespmem:$0x6630]  }
0xb7: {  	v6 =	vadd.f32 $0.0e+00, v6;
	v8 =	vmul.f32 v8, v9;
	v9 =	vld [tilespmem:s30+$0x3E50]  }
0xb8: {  	v5 =	vmax.f32 v5, $0.0e+00;
	v4 =	vadd.f32 v12, v4;
	v12 =	vld [tilespmem:$0x6640]  }
0xb9: {  	v6 =	vadd.f32 v8, v6;
	v5 =	vmul.f32 v5, v10;
	v8 =	vld [tilespmem:s30+$0x3E60]  }
0xba: {  	v4 =	vmax.f32 v4, $0.0e+00;
	v3 =	vadd.f32 v7, v3;
	v7 =	vld [tilespmem:$0x6650]  }
0xbb: {  	v5 =	vadd.f32 v5, v6;
	v4 =	vmul.f32 v4, v11;
	v6 =	vld [tilespmem:s30+$0x3E70]  }
0xbc: {  	s0 =	sshra.s32 s3, $0x2;
	v3 =	vmax.f32 v3, $0.0e+00;
	v2 =	vadd.f32 v9, v2;
	v9 =	vld [tilespmem:$0x6660]  }
0xbd: {  	v10 =	vld [tilespmem:s0+$0x2A70];
	v4 =	vadd.f32 v4, v5;
	v3 =	vmul.f32 v3, v12  }
0xbe: {  	v2 =	vmax.f32 v2, $0.0e+00;
	v5 =	vadd.f32 v8, v1;
	v8 =	vld [tilespmem:$0x6670]  }
0xbf: {  	v1 =	vld [tilespmem:s0+$0x2A60];
	v4 =	vadd.f32 v3, v4;
	v7 =	vmul.f32 v2, v7  }
.Ltmp1:
0xc0: {  	v2 =	vld [tilespmem:s0+$0x2A50];
	v5 =	vmax.f32 v5, $0.0e+00;
	v11 =	vadd.f32 v6, v0;
	(pc) =	sbr.rel @p0 .LBB2_5-.Ltmp1, $4  }
0xc1: {  	v3 =	vld [tilespmem:s0+$0x2A40];
	v6 =	vadd.f32 v7, v4;
	v7 =	vmul.f32 v5, v9  }
0xc2: {  	v4 =	vld [tilespmem:s0+$0x2A30];
	v9 =	vmax.f32 v11, $0.0e+00;
	v0 =	vmov v10  }
0xc3: {  	v5 =	vld [tilespmem:s0+$0x2A20];
	v7 =	vadd.f32 v7, v6;
	v8 =	vmul.f32 v9, v8  }
0xc4: {  	s3 =	sadd.s32 $0x200, s3;
	v6 =	vld [tilespmem:s0+$0x2A00]  }
0xc5: {  	v9 =	vld [tilespmem:s0+$0x3E00];
	v7 =	vadd.f32 v8, v7  }
0xc6: {  	v52 =	vld [tilespmem:s0+$0x2A10]  }
0xc7: {  	v10 =	vld [tilespmem:s0+$0x3E10];
	[tilespmem:s30+$0x5200] =	vst v7  }
0xc8: {  	v7 =	vld [tilespmem:$0x6600]  }
0xc9: {  	v11 =	vld [tilespmem:s0+$0x3E20]  }
0xca: {  	v53 =	vld [tilespmem:$0x6610];
	v6 =	vadd.f32 v9, v6  }
0xcb: {  	v12 =	vld [tilespmem:s0+$0x3E30]  }
0xcc: {  	v54 =	vld [tilespmem:$0x6620];
	v8 =	vadd.f32 v10, v52;
	v6 =	vmax.f32 v6, $0.0e+00  }
0xcd: {  	v55 =	vld [tilespmem:s0+$0x3E40];
	v6 =	vmul.f32 v6, v7  }
0xce: {  	v56 =	vld [tilespmem:$0x6630];
	v8 =	vmax.f32 v8, $0.0e+00;
	v5 =	vadd.f32 v11, v5  }
0xcf: {  	v57 =	vld [tilespmem:s0+$0x3E50];
	v8 =	vmul.f32 v8, v53;
	v6 =	vadd.f32 $0.0e+00, v6  }
0xd0: {  	v58 =	vld [tilespmem:$0x6640];
	v4 =	vadd.f32 v12, v4;
	v5 =	vmax.f32 v5, $0.0e+00  }
0xd1: {  	v59 =	vld [tilespmem:s0+$0x3E60];
	v5 =	vmul.f32 v5, v54;
	v6 =	vadd.f32 v8, v6  }
0xd2: {  	v60 =	vld [tilespmem:$0x6650];
	v3 =	vadd.f32 v55, v3;
	v4 =	vmax.f32 v4, $0.0e+00  }
0xd3: {  	v61 =	vld [tilespmem:s0+$0x3E70];
	v4 =	vmul.f32 v4, v56;
	v5 =	vadd.f32 v5, v6  }
0xd4: {  	v62 =	vld [tilespmem:$0x6660];
	v2 =	vadd.f32 v57, v2;
	v3 =	vmax.f32 v3, $0.0e+00  }
0xd5: {  	v3 =	vmul.f32 v3, v58;
	v4 =	vadd.f32 v4, v5  }
0xd6: {  	v63 =	vld [tilespmem:$0x6670];
	v1 =	vadd.f32 v59, v1;
	v2 =	vmax.f32 v2, $0.0e+00  }
0xd7: {  	v2 =	vmul.f32 v2, v60;
	v3 =	vadd.f32 v3, v4  }
0xd8: {  	v0 =	vadd.f32 v61, v0;
	v1 =	vmax.f32 v1, $0.0e+00  }
0xd9: {  	v1 =	vmul.f32 v1, v62;
	v2 =	vadd.f32 v2, v3  }
0xda: {  	v0 =	vmax.f32 v0, $0.0e+00  }
0xdb: {  	v0 =	vmul.f32 v0, v63;
	v1 =	vadd.f32 v1, v2;
	_ =	sdelay $0x1  }
0xdc: {  	s28 =	sadd.s32 $0x1, s28;
	v0 =	vadd.f32 v0, v1  }
0xdd: {  	s3 =	sshll.u32 s29, $0x4;
	p0 =	sne.s32 s28, $0x7D  }
.Ltmp2:
0xde: {  	s31 =	sadd.s32 s8, s3;
	[tilespmem:s0+$0x5200] =	vst v0;
	(pc) =	sbr.rel @p0 .LBB2_2-.Ltmp2, $4  }
0xdf: {  	[hbm4b:s31+s2] =	stream.linear.scatter [tilespmem:s23], [sflag:$0x5], $0x1400, $0x38;
	[tilespmem:$0x6680] =	vst v63  }
0xe0: {  	_ =	swait.ge [sflag:s12], $0x1400  }
0xe1: {  	[sflag:s12] =	ssyncset.done $0x0  }
0xe2: {  	[sflag:s12] =	ssyncadd.s32 $0xFFFFEC00  }
0xe3: {  	s26 =	sadd.s32 $0x1, s26  }
0xe4: {  	p0 =	sne.s32 s26, s10  }
.Ltmp3:
0xe5: {  	_ = 	snop;
	(pc) =	sbr.rel @p0 .LBB2_1-.Ltmp3, $1  }
0xe6: {  	_ =	sdelay $0x3  }
0xe7: {  	_ =	sfence.sel $0x180000  }
0xe8: {  	[bflag:$0x0] =	sbarrier.arrive $0xFFFF  }
0xe9: {  	_ =	strace $0x9000004A  }
0xea: {  	s0 =	stileid.u32;
	[bflag:$0x2] =	sbarrier.arrive $0xFFFF  }
0xeb: {  	p0 =	sne.s32 s0, $0x0;
	s0 =	rddreg [dreg:$0x2]  }
0xec: {  	s0 =	sadd.s32 @!p0 $0x100000, s0  }
0xed: {  	[sflag:s0] =	ssyncadd.tile.s32 @!p0 $0x1;
	_ =	shalt  }
.Lfunc_end2:
_tile_overlayer_lowered:
.L_overlay_start_2:
0xee: {  	(tag) =	ssettag $0x2  }
0xef: {  	s0 =	rddreg [dreg:$0x0];
	s2 =	stileid.u32  }
0xf0: {  	s1 =	rddreg [dreg:$0x1];
	p0 =	sne.s32 s2, $0x0  }
0xf1: {  	s3 =	rddreg [dreg:$0x2];
	[bflag:$0x3] =	sbarrier.arrive $0xFFFF;
	s2 =	simm.s32 @!p0 $0x1C05  }
0xf2: {  	[timem:s3], [sflag:s2] =	dma.local @!p0 [hbm:s0], s1  }
0xf3: {  	s0 =	simm.s32 @!p0 $0x5  }
0xf4: {  	_ =	swait.ge @!p0 [sflag:s0], s1  }
0xf5: {  	s1 =	ssub.s32 @!p0 $0x0, s1;
	[sflag:s0] =	ssyncset.done @!p0 $0x0  }
0xf6: {  	[sflag:s0] =	ssyncadd.s32 @!p0 s1  }
0xf7: {  	[bflag:$0x3] =	sbarrier.arrive $0xFFFF  }
0xf8: {  	_ =	shalt  }

// kernel: kernel.7.cloned.1.call-start
scs
__scs_entry_jumppad:
0x0: {  	(pc) =	sbr.rel $0x88, $3  }
0x1: {  	(tag) =	ssettag $0x0;
	lr =	simm.s32 $0x1  }
0x2: {  	[smem:$0x3F9A] =	sst lr;
	_ =	strace $0xD0000000  }
0x3: {  	_ = 	snop  }
0x4: {  	_ = 	snop  }
0x5: {  	_ = 	snop  }
0x6: {  	_ = 	snop  }
0x7: {  	_ = 	snop  }
__scs_overlays_trampoline_lowered:
0x8: {  	[smem:$0x3FA9] =	sst s0  }
0x9: {  	[smem:$0x3FAA] =	sst s1  }
0xa: {  	[smem:$0x3FAB] =	sst s2  }
0xb: {  	[smem:$0x3FAC] =	sst s3  }
0xc: {  	[smem:$0x3FAD] =	sst s4  }
0xd: {  	[smem:$0x3FAE] =	sst s5  }
0xe: {  	[smem:$0x3FAF] =	sst s6  }
0xf: {  	[smem:$0x3FB0] =	sst s7  }
0x10: {  	[smem:$0x3FB1] =	sst s8  }
0x11: {  	[smem:$0x3FB2] =	sst s9;
	s0 =	simm.s32 @!p0 $0x0  }
0x12: {  	s1 =	sld [smem:$0x3F98];
	s0 =	simm.s32 @p0 $0x1  }
0x13: {  	[smem:$0x3FB3] =	sst s0;
	s0 =	simm.s32 @!p1 $0x0  }
0x14: {  	s2 =	sld [smem:$0x3F97];
	s0 =	simm.s32 @p1 $0x1  }
0x15: {  	[smem:$0x3FB4] =	sst s0;
	s0 =	simm.s32 @!p2 $0x0  }
0x16: {  	s3 =	sld [smem:$0x3FDB];
	s0 =	simm.s32 @p2 $0x1  }
0x17: {  	s4 =	simm.s32 $0x1BF5;
	[smem:$0x3FB6] =	sst s0  }
0x18: {  	s0 =	sld [smem:$0x3F99];
	_ =	swait.ge [sflag:s4], $0x0  }
0x19: {  	s7 =	sld [smem:$0x3F9A]  }
0x1a: {  	s8 =	sadd.s32 $0xFFFFE003, lr  }
0x1b: {  	s9 =	sadd.s32 $0xFFFFFEF7, lr;
	s5 =	simm.s32 $0xFFFFFFFF;
	p2 =	slt.u32 s8, $0xFFFFF086  }
0x1c: {  	p1 =	slt.u32 s9, $0xF7A;
	s5 =	simm.s32 @!p2 $0x0  }
0x1d: {  	s5 =	simm.s32 @p1 $0x1;
	p0 =	seq.s32 s7, s2  }
0x1e: {  	s7 =	smul.u32 @!p0 $0xF7A, s2;
	p2 =	seq.s32 @!p0 s5, $0x0  }
0x1f: {  	s9 =	smul.u32 $0xF7A, s1;
	s8 =	simm.s32 @!p0 $0x1BF5;
	p2 =	por !p2, p0  }
0x20: {  	[sflag:s8] =	ssyncset.s32 @!p0 $0xFFFFF086;
	s6 =	sadd.s32 @!p0 s3, s7;
	s7 =	simm.s32 @!p0 $0x108  }
0x21: {  	s3 =	sadd.s32 s3, s9;
	s6 =	sadd.s32 @!p0 $0x88, s6;
	s7 =	simm.s32 @p2 $0x1082  }
0x22: {  	[simem:s7], [sflag:s8] =	dma.local @!p0 [hbm:s6], $0xF7A  }
0x23: {  	s9 =	sor.u32 $0xD0000000, s2;
	s6 =	simm.s32 $0x108;
	_ =	swait.ge @!p0 [sflag:s8], $0x0  }
0x24: {  	s3 =	sadd.s32 $0x88, s3;
	s6 =	simm.s32 @!p1 $0x1082;
	[sflag:s4] =	ssyncset.s32 $0xFFFFF086  }
0x25: {  	[simem:s6], [sflag:s4] =	dma.local [hbm:s3], $0xF7A  }
0x26: {  	[smem:$0x3F9A] =	sst s1;
	(tag) =	ssettag s2;
	_ =	strace s9  }
0x27: {  	s1 =	sld [smem:$0x3FAA]  }
0x28: {  	s2 =	sld [smem:$0x3FAB]  }
0x29: {  	s4 =	sld [smem:$0x3FAD]  }
0x2a: {  	p0 =	seq.s32 s5, $0x0;
	s5 =	sld [smem:$0x3FAE]  }
0x2b: {  	s6 =	sld [smem:$0x3FAF]  }
0x2c: {  	s7 =	sld [smem:$0x3FB0]  }
0x2d: {  	s3 =	simm.s32 $0x108;
	s8 =	sld [smem:$0x3FB1]  }
0x2e: {  	s3 =	simm.s32 @!p0 $0x1082;
	s9 =	sld [smem:$0x3FB2]  }
0x2f: {  	lr =	sadd.s32 s0, s3;
	s0 =	sld [smem:$0x3FA9]  }
0x30: {  	s3 =	sld [smem:$0x3FAC]  }
0x31: {  	[smem:$0x3FB5] =	sst s10  }
0x32: {  	s10 =	sld [smem:$0x3FB3];
	_ =	sdelay $0x3  }
0x33: {  	p0 =	seq.s32 s10, $0x1;
	s10 =	sld [smem:$0x3FB5];
	_ =	sdelay $0x3  }
0x34: {  	[smem:$0x3FB5] =	sst s10  }
0x35: {  	s10 =	sld [smem:$0x3FB4];
	_ =	sdelay $0x3  }
0x36: {  	p1 =	seq.s32 s10, $0x1;
	s10 =	sld [smem:$0x3FB5];
	_ =	sdelay $0x3  }
0x37: {  	[smem:$0x3FB5] =	sst s10  }
0x38: {  	s10 =	sld [smem:$0x3FB6]  }
0x39: {  	_ = 	snop;
	(pc) =	sbr.ind lr, $3  }
0x3a: {  	_ = 	snop  }
0x3b: {  	_ = 	snop  }
0x3c: {  	p2 =	seq.s32 s10, $0x1;
	s10 =	sld [smem:$0x3FB5]  }
0x3d: {  	_ =	shalt  }
0x3e: {  	_ =	shalt  }
0x3f: {  	_ =	shalt  }
0x40: {  	_ =	shalt  }
0x41: {  	_ =	shalt  }
0x42: {  	_ =	shalt  }
0x43: {  	_ =	shalt  }
0x44: {  	_ =	shalt  }
0x45: {  	_ =	shalt  }
0x46: {  	_ =	shalt  }
0x47: {  	_ =	shalt  }
0x48: {  	_ =	shalt  }
0x49: {  	_ =	shalt  }
0x4a: {  	_ =	shalt  }
0x4b: {  	_ =	shalt  }
0x4c: {  	_ =	shalt  }
0x4d: {  	_ =	shalt  }
0x4e: {  	_ =	shalt  }
0x4f: {  	_ =	shalt  }
0x50: {  	_ =	shalt  }
0x51: {  	_ =	shalt  }
0x52: {  	_ =	shalt  }
0x53: {  	_ =	shalt  }
0x54: {  	_ =	shalt  }
0x55: {  	_ =	shalt  }
0x56: {  	_ =	shalt  }
0x57: {  	_ =	shalt  }
0x58: {  	_ =	shalt  }
0x59: {  	_ =	shalt  }
0x5a: {  	_ =	shalt  }
0x5b: {  	_ =	shalt  }
0x5c: {  	_ =	shalt  }
0x5d: {  	_ =	shalt  }
0x5e: {  	_ =	shalt  }
0x5f: {  	_ =	shalt  }
0x60: {  	_ =	shalt  }
0x61: {  	_ =	shalt  }
0x62: {  	_ =	shalt  }
0x63: {  	_ =	shalt  }
0x64: {  	_ =	shalt  }
0x65: {  	_ =	shalt  }
0x66: {  	_ =	shalt  }
0x67: {  	_ =	shalt  }
0x68: {  	_ =	shalt  }
0x69: {  	_ =	shalt  }
0x6a: {  	_ =	shalt  }
0x6b: {  	_ =	shalt  }
0x6c: {  	_ =	shalt  }
0x6d: {  	_ =	shalt  }
0x6e: {  	_ =	shalt  }
0x6f: {  	_ =	shalt  }
0x70: {  	_ =	shalt  }
0x71: {  	_ =	shalt  }
0x72: {  	_ =	shalt  }
0x73: {  	_ =	shalt  }
0x74: {  	_ =	shalt  }
0x75: {  	_ =	shalt  }
0x76: {  	_ =	shalt  }
0x77: {  	_ =	shalt  }
0x78: {  	_ =	shalt  }
0x79: {  	_ =	shalt  }
0x7a: {  	_ =	shalt  }
0x7b: {  	_ =	shalt  }
0x7c: {  	_ =	shalt  }
0x7d: {  	_ =	shalt  }
0x7e: {  	_ =	shalt  }
0x7f: {  	_ =	shalt  }
0x80: {  	_ =	shalt  }
0x81: {  	_ =	shalt  }
0x82: {  	_ =	shalt  }
0x83: {  	_ =	shalt  }
0x84: {  	_ =	shalt  }
0x85: {  	_ =	shalt  }
0x86: {  	_ =	shalt  }
0x87: {  	_ =	shalt  }
.Lfunc_end0:
.L_simem_size_0:
called_computation_lowered:
.L_overlay_start_0:
0x88: {  	s2 =	sld [smem:$0x3FD9]  }
0x89: {  	s3 =	sld [smem:$0x3FFE];
	_ =	sdelay $0x1  }
0x8a: {  	s1 =	srdreg.scid  }
0x8b: {  	s0 =	sand.u32 $0x1, s1  }
0x8c: {  	s14 =	sshll.u32 s0, $0xA;
	s2 =	sadd.s32 s3, s2  }
0x8d: {  	s2 =	sadd.s32 s2, s14  }
0x8e: {  	[smem:$0x3FC1] =	sst s2  }
0x8f: {  	_ = 	snop  }
0x90: {  	s2 =	sld [smem:$0x3FD0];
	_ =	sdelay $0x2  }
0x91: {  	s4 =	simm.s32 $0xA;
	s5 =	simm.s32 $0x10;
	s15 =	sld [smem:$0x3FC4]  }
0x92: {  	[smem:s5], [sflag:s4] =	dma.local [hbm:s2], $0x1  }
0x93: {  	_ =	swait.eq [sflag:s4], $0x1  }
0x94: {  	[sflag:s4] =	ssyncset.done $0x0  }
0x95: {  	[sflag:s4] =	ssyncadd.s32 $0xFFFFFFFF  }
0x96: {  	s16 =	sld [smem:$0x11];
	(tm) =	ssettm $0x1  }
0x97: {  	s17 =	sld [smem:$0x3FFB];
	_ =	sdelay $0x3  }
0x98: {  	_ =	strace s17  }
0x99: {  	s4 =	sld [smem:$0x3FFC];
	_ =	sdelay $0x3  }
0x9a: {  	_ =	strace s4  }
0x9b: {  	s4 =	sld [smem:$0x3FFD];
	_ =	sdelay $0x3  }
0x9c: {  	_ =	strace s4  }
0x9d: {  	_ =	strace $0x8FFFFFFF  }
0x9e: {  	s18 =	sld [smem:$0x3FDB];
	_ =	sdelay $0x1  }
0x9f: {  	s19 =	simm.s32 $_scs_section_size  }
0xa0: {  	s6 =	simm.s32 $_size__tile_overlayer_lowered;
	s7 =	simm.s32 $_tile_overlayer_lowered  }
0xa1: {  	s22 =	simm.s32 $0x1BFF;
	s21 =	sshll.u32 s7, $0x1;
	s4 =	sadd.s32 s19, s18  }
0xa2: {  	s8 =	simm.s32 $0x0;
	s20 =	sshll.u32 s6, $0x1;
	s6 =	sadd.s32 s21, s4  }
0xa3: {  	[timem:s8], [sflag:s22] =	dma.local [hbm:s6], s20  }
0xa4: {  	_ =	swait.ge [sflag:s22], s20  }
0xa5: {  	s5 =	ssub.s32 $0x0, s20;
	[sflag:s22] =	ssyncset.done $0x0  }
0xa6: {  	[sflag:s22] =	ssyncadd.s32 s5;
	_ =	sdelay $0x1  }
0xa7: {  	s23 =	simm.s32 $0x1B8B  }
0xa8: {  	_ =	swait.ge [sflag:s23], $0x1  }
0xa9: {  	[sflag:s23] =	ssyncset.done $0x0  }
0xaa: {  	s25 =	simm.s32 $0x1B8E;
	s24 =	sld [smem:$0x3FFE];
	[sflag:s23] =	ssyncadd.s32 $0xFFFFFFFF  }
0xab: {  	s26 =	simm.s32 $execute0_lowered;
	[smem:$0x3FD2] =	sst s25  }
0xac: {  	s6 =	sshll.u32 s26, $0x1;
	_ =	strace $0x80000046;
	[dreg:$0x1] =	wrdreg $0xFFFFFFFF  }
0xad: {  	s28 =	simm.s32 $_size_execute0_lowered;
	s4 =	sadd.s32 s4, s6;
	[dreg:$0x0] =	wrdreg $0x0  }
0xae: {  	s6 =	sshll.u32 s28, $0x1;
	[dreg:$0x2] =	wrdreg s4  }
0xaf: {  	[dreg:$0x3] =	wrdreg s6  }
0xb0: {  	[dreg:$0x4] =	wrdreg $0xC0  }
0xb1: {  	_ =	task [dreg:s8], $0x5FFFF  }
0xb2: {  	[dreg:$0x1] =	wrdreg $0xFFFFFFFF  }
0xb3: {  	[dreg:$0x0] =	wrdreg $0x60  }
0xb4: {  	[dreg:$0x2] =	wrdreg s24  }
0xb5: {  	[dreg:$0x3] =	wrdreg s15  }
0xb6: {  	[dreg:$0x4] =	wrdreg s16  }
0xb7: {  	[dreg:$0x5] =	wrdreg $0x8F000  }
0xb8: {  	[dreg:$0x6] =	wrdreg $0x9  }
0xb9: {  	_ =	task.clear_ibuf [dreg:s8], $0x7FFFF;
	_ =	strace $0x90000046  }
0xba: {  	s29 =	simm.s32 $0x9;
	_ =	strace $0x80000048  }
0xbb: {  	_ =	swait.ge [sflag:s29], $0x1  }
0xbc: {  	[sflag:s29] =	ssyncadd.s32 $0xFFFFFFFF  }
0xbd: {  	_ =	strace $0x90000048  }
0xbe: {  	_ =	sfence  }
0xbf: {  	s30 =	sld [smem:$0x0];
	_ =	sdelay $0x2  }
0xc0: {  	s31 =	sshll.u32 s1, $0xD;
	s1 =	sshrl.u32 s1, $0x2  }
0xc1: {  	s3 =	sand.u32 $0x4000, s31;
	s1 =	sadd.s32 s1, s30  }
0xc2: {  	s0 =	sor.u32 s3, s0;
	s1 =	sshll.u32 s1, $0x11  }
0xc3: {  	s0 =	sor.u32 s1, s0  }
0xc4: {  	s0 =	sadd.s32 $0x8F2B, s0  }
0xc5: {  	[sflag:s0] =	ssyncadd.remote.s32 $0x1  }
0xc6: {  	_ =	sfence.sel $0xFFFF  }
0xc7: {  	[dreg:$0x0] =	wrdreg $0xFFFFFFFF;
	(pc) =	sbr.abs _section_cstart, $3  }
0xc8: {  	[dreg:$0x1] =	wrdreg $0xFFFFFFFF  }
0xc9: {  	_ =	task.clear_ibuf [dreg:s8], $0x2FFFF;
	_ =	strace $0x9FFFFFFF  }
0xca: {  	(tm) =	ssettm $0x7FFFFFFF  }
0xcb: {  	_ =	shalt  }
tec
execute0_lowered:
.L_overlay_start_1:
0x0: {  	(tag) =	ssettag $0x1  }
0x1: {  	s0 =	rddreg [dreg:$0x0]  }
0x2: {  	s3 =	rddreg [dreg:$0x3];
	s5 =	simm.s32 $0x0;
	s1 =	srdreg.scid  }
0x3: {  	s13 =	stileid.u32;
	[smem:$0x7FF] =	sst s5;
	s1 =	sand.u32 $0x1, s1  }
0x4: {  	s4 =	smul.u32 $0x14000, s13;
	s6 =	sadd.s32 $0x3D200, s0;
	s9 =	sshrl.u32 s13, $0x3  }
0x5: {  	s7 =	sadd.s32 $0x16000, s0;
	s8 =	sadd.s32 $0xC200, s0;
	s12 =	smul.u32 $0x50000, s13  }
0x6: {  	s29 =	sshll.u32 s13, $0x7;
	s13 =	sshll.u32 s13, $0x1;
	s2 =	smul.u32 $0x140000, s1  }
0x7: {  	_ =	strace $0x80000047;
	s10 =	smul.u32 $0x28000, s1;
	s12 =	sshrl.u32 s12, $0x2  }
0x8: {  	s11 =	smul.u32 $0x14000, s9;
	s9 =	sadd.s32 $0x2400, s0;
	s28 =	sadd.s32 s12, s3  }
0x9: {  	s30 =	ssub.s32 $0x2, s1;
	s14 =	sadd.s32 $0x1400, s28;
	[dreg:$0x6] =	wrdreg s28  }
0xa: {  	s1 =	sor.u32 s1, s13;
	s15 =	sadd.s32 $0x2800, s28;
	[dreg:$0x8] =	wrdreg s14  }
0xb: {  	s31 =	sshrl.u32 s30, $0x1;
	s16 =	sadd.s32 $0x3C00, s28;
	[dreg:$0x9] =	wrdreg s15  }
0xc: {  	s2 =	sadd.s32 s4, s2;
	s17 =	sadd.s32 $0x5000, s28;
	[dreg:$0xa] =	wrdreg s16  }
0xd: {  	s11 =	sadd.s32 s10, s11;
	s18 =	sadd.s32 $0x6400, s28;
	[dreg:$0xb] =	wrdreg s17  }
0xe: {  	s4 =	sand.u32 $0x380, s29;
	s19 =	sadd.s32 $0x7800, s28;
	[dreg:$0xc] =	wrdreg s18  }
0xf: {  	s10 =	sadd.s32 $0xBE400, s0;
	s20 =	sadd.s32 $0x8C00, s28;
	[dreg:$0xd] =	wrdreg s19  }
0x10: {  	s12 =	simm.s32 $0x1600;
	s21 =	sadd.s32 $0xA000, s28;
	[dreg:$0xe] =	wrdreg s20  }
0x11: {  	s2 =	sshrl.u32 s2, $0x3;
	s22 =	sadd.s32 $0xB400, s28;
	[dreg:$0xf] =	wrdreg s21  }
0x12: {  	s4 =	sor.u32 s4, s11;
	s23 =	sadd.s32 $0xC800, s28;
	[dreg:$0x10] =	wrdreg s22  }
0x13: {  	s11 =	smul.u32 $0x2710, s1;
	s24 =	sadd.s32 $0xDC00, s28;
	[dreg:$0x11] =	wrdreg s23  }
0x14: {  	s26 =	sadd.s32 $0xF000, s28;
	s29 =	sadd.s32 $0x10400, s28;
	[dreg:$0x12] =	wrdreg s24  }
0x15: {  	s1 =	simm.s32 $0x28;
	s2 =	sadd.s32 s2, s0;
	[dreg:$0x13] =	wrdreg s26  }
0x16: {  	s4 =	sshrl.u32 s4, $0x3;
	[dreg:$0x14] =	wrdreg s29;
	s14 =	simm.s32 $0x100  }
0x17: {  	s15 =	simm.s32 $0x180;
	s16 =	simm.s32 $0x2A00;
	s17 =	simm.s32 $0x3E00  }
0x18: {  	s18 =	simm.s32 $0x1;
	s19 =	simm.s32 $0x2;
	s20 =	simm.s32 $0x5200  }
0x19: {  	s21 =	simm.s32 $0x6700;
	s22 =	simm.s32 $0x3;
	s23 =	simm.s32 $0x4  }
0x1a: {  	s0 =	sadd.s32 s4, s0;
	s4 =	ssub.s32 s30, s31;
	s30 =	sadd.s32 $0x11800, s28  }
0x1b: {  	s24 =	simm.s32 $0x0;
	s31 =	sadd.s32 $0x12C00, s28;
	[dreg:$0x15] =	wrdreg s30  }
0x1c: {  	s25 =	sadd.s32 $0x6E400, s2;
	s0 =	sadd.s32 $0x64400, s0;
	[dreg:$0x16] =	wrdreg s31  }
0x1d: {  	s2 =	simm.s32 $0x200;
	s13 =	smax.u32 s4, $0x1;
	[dreg:$0x5] =	wrdreg s0  }
0x1e: {  	v0 =	vimm.f32 $0.0e+00;
	v1 =	vimm.f32 $1.000000000e+00;
	s4 =	simm.s32 $0x5;
	[dreg:$0x7] =	wrdreg s13;
	s0 =	simm.s32 $0x80  }
.LBB2_1:
0x1f: {  	[dreg:$0x17] =	wrdreg s24  }
0x20: {  	s13 =	rddreg [dreg:$0x1];
	s29 =	simm.s32 $0x6600  }
0x21: {  	[tilespmem:s29], [sflag:$0x5] =	stream.linear.gather [hbm4b:s13+s5], $0x80, $0x38;
	[tilespmem:$0x1CF00] =	vst v63  }
0x22: {  	_ =	swait.ge [sflag:s4], $0x80  }
0x23: {  	[sflag:s4] =	ssyncset.done $0x0  }
0x24: {  	[sflag:s4] =	ssyncadd.s32 $0xFFFFFF80  }
0x25: {  	s31 =	simm.s32 $0x6680;
	s30 =	rddreg [dreg:$0x2]  }
0x26: {  	[tilespmem:s31], [sflag:$0x5] =	stream.linear.gather [hbm4b:s30+s5], $0x80, $0x38;
	[tilespmem:$0x1CF00] =	vst v63  }
0x27: {  	_ =	swait.ge [sflag:s4], $0x80  }
0x28: {  	[sflag:s4] =	ssyncset.done $0x0  }
0x29: {  	s24 =	simm.s32 $0x200;
	s13 =	simm.s32 $0x0;
	[sflag:s4] =	ssyncadd.s32 $0xFFFFFF80  }
.LBB2_2:
0x2a: {  	p0 =	sne.s32 s24, $0x4E00;
	[tilespmem:s13+$0x270] =	vst v0  }
0x2b: {  	[tilespmem:s13+$0x200] =	vst v0  }
0x2c: {  	[tilespmem:s13+$0x210] =	vst v0  }
.Ltmp0:
0x2d: {  	[tilespmem:s13+$0x220] =	vst v0;
	(pc) =	sbr.rel @p0 .LBB2_2-.Ltmp0, $4  }
0x2e: {  	[tilespmem:s13+$0x230] =	vst v0  }
0x2f: {  	[tilespmem:s13+$0x240] =	vst v0  }
0x30: {  	[tilespmem:s13+$0x250] =	vst v0  }
0x31: {  	[tilespmem:s13+$0x260] =	vst v0;
	s13 =	sshra.s32 s24, $0x2;
	s24 =	sadd.s32 $0x200, s24  }
0x32: {  	[tilespmem:s13+$0x270] =	vst v0  }
0x33: {  	[tilespmem:s13+$0x200] =	vst v0  }
0x34: {  	[tilespmem:s13+$0x210] =	vst v0  }
0x35: {  	[tilespmem:s13+$0x220] =	vst v0  }
0x36: {  	[tilespmem:s13+$0x230] =	vst v0  }
0x37: {  	[tilespmem:s13+$0x240] =	vst v0  }
0x38: {  	[tilespmem:s13+$0x250] =	vst v0  }
0x39: {  	[tilespmem:s13+$0x260] =	vst v0;
	s13 =	simm.s32 $0x40;
	s24 =	simm.s32 $0x0  }
.LBB2_4:
0x3a: {  	p0 =	sne.s32 s13, $0x9FC0;
	[tilespmem:s24+$0x6700] =	vst v0;
	s24 =	smov.u32 s13;
	s13 =	sadd.s32 $0x40, s13  }
.Ltmp1:
0x3b: {  	(pc) =	sbr.rel @p0 .LBB2_4-.Ltmp1, $2  }
0x3c: {  	_ =	sdelay $0x2  }
0x3d: {  	s24 =	sshra.s32 s24, $0x2  }
0x3e: {  	[tilespmem:s24+$0x6700] =	vst v0  }
0x3f: {  	[spmem:s28] =	stream.linear.scatter [tilespmem:s2], [sflag:$0x5], $0x1400, $0x38;
	[tilespmem:$0x1CF00] =	vst v63  }
0x40: {  	_ =	swait.ge [sflag:s4], $0x1400  }
0x41: {  	[sflag:s4] =	ssyncset.done $0x0  }
0x42: {  	s13 =	rddreg [dreg:$0x8];
	[sflag:s4] =	ssyncadd.s32 $0xFFFFEC00  }
0x43: {  	[spmem:s13] =	stream.linear.scatter [tilespmem:s2], [sflag:$0x5], $0x1400, $0x38;
	[tilespmem:$0x1CF00] =	vst v63  }
0x44: {  	_ =	swait.ge [sflag:s4], $0x1400  }
0x45: {  	[sflag:s4] =	ssyncset.done $0x0  }
0x46: {  	s26 =	rddreg [dreg:$0x9];
	[sflag:s4] =	ssyncadd.s32 $0xFFFFEC00  }
0x47: {  	[spmem:s26] =	stream.linear.scatter [tilespmem:s2], [sflag:$0x5], $0x1400, $0x38;
	[tilespmem:$0x1CF00] =	vst v63  }
0x48: {  	_ =	swait.ge [sflag:s4], $0x1400  }
0x49: {  	[sflag:s4] =	ssyncset.done $0x0  }
0x4a: {  	s29 =	rddreg [dreg:$0xa];
	[sflag:s4] =	ssyncadd.s32 $0xFFFFEC00  }
0x4b: {  	[spmem:s29] =	stream.linear.scatter [tilespmem:s2], [sflag:$0x5], $0x1400, $0x38;
	[tilespmem:$0x1CF00] =	vst v63  }
0x4c: {  	_ =	swait.ge [sflag:s4], $0x1400  }
0x4d: {  	[sflag:s4] =	ssyncset.done $0x0  }
0x4e: {  	s30 =	rddreg [dreg:$0xb];
	[sflag:s4] =	ssyncadd.s32 $0xFFFFEC00  }
0x4f: {  	[spmem:s30] =	stream.linear.scatter [tilespmem:s2], [sflag:$0x5], $0x1400, $0x38;
	[tilespmem:$0x1CF00] =	vst v63  }
0x50: {  	_ =	swait.ge [sflag:s4], $0x1400  }
0x51: {  	[sflag:s4] =	ssyncset.done $0x0  }
0x52: {  	s31 =	rddreg [dreg:$0xc];
	[sflag:s4] =	ssyncadd.s32 $0xFFFFEC00  }
0x53: {  	[spmem:s31] =	stream.linear.scatter [tilespmem:s2], [sflag:$0x5], $0x1400, $0x38;
	[tilespmem:$0x1CF00] =	vst v63  }
0x54: {  	_ =	swait.ge [sflag:s4], $0x1400  }
0x55: {  	[sflag:s4] =	ssyncset.done $0x0  }
0x56: {  	s24 =	rddreg [dreg:$0xd];
	[sflag:s4] =	ssyncadd.s32 $0xFFFFEC00  }
0x57: {  	[spmem:s24] =	stream.linear.scatter [tilespmem:s2], [sflag:$0x5], $0x1400, $0x38;
	[tilespmem:$0x1CF00] =	vst v63  }
0x58: {  	_ =	swait.ge [sflag:s4], $0x1400  }
0x59: {  	[sflag:s4] =	ssyncset.done $0x0  }
0x5a: {  	s26 =	rddreg [dreg:$0xe];
	[sflag:s4] =	ssyncadd.s32 $0xFFFFEC00  }
0x5b: {  	[spmem:s26] =	stream.linear.scatter [tilespmem:s2], [sflag:$0x5], $0x1400, $0x38;
	[tilespmem:$0x1CF00] =	vst v63  }
0x5c: {  	_ =	swait.ge [sflag:s4], $0x1400  }
0x5d: {  	[sflag:s4] =	ssyncset.done $0x0  }
0x5e: {  	s29 =	rddreg [dreg:$0xf];
	[sflag:s4] =	ssyncadd.s32 $0xFFFFEC00  }
0x5f: {  	[spmem:s29] =	stream.linear.scatter [tilespmem:s2], [sflag:$0x5], $0x1400, $0x38;
	[tilespmem:$0x1CF00] =	vst v63  }
0x60: {  	_ =	swait.ge [sflag:s4], $0x1400  }
0x61: {  	[sflag:s4] =	ssyncset.done $0x0  }
0x62: {  	s30 =	rddreg [dreg:$0x10];
	[sflag:s4] =	ssyncadd.s32 $0xFFFFEC00  }
0x63: {  	[spmem:s30] =	stream.linear.scatter [tilespmem:s2], [sflag:$0x5], $0x1400, $0x38;
	[tilespmem:$0x1CF00] =	vst v63  }
0x64: {  	_ =	swait.ge [sflag:s4], $0x1400  }
0x65: {  	[sflag:s4] =	ssyncset.done $0x0  }
0x66: {  	s31 =	rddreg [dreg:$0x11];
	[sflag:s4] =	ssyncadd.s32 $0xFFFFEC00  }
0x67: {  	[spmem:s31] =	stream.linear.scatter [tilespmem:s2], [sflag:$0x5], $0x1400, $0x38;
	[tilespmem:$0x1CF00] =	vst v63  }
0x68: {  	_ =	swait.ge [sflag:s4], $0x1400  }
0x69: {  	[sflag:s4] =	ssyncset.done $0x0  }
0x6a: {  	s24 =	rddreg [dreg:$0x12];
	[sflag:s4] =	ssyncadd.s32 $0xFFFFEC00  }
0x6b: {  	[spmem:s24] =	stream.linear.scatter [tilespmem:s2], [sflag:$0x5], $0x1400, $0x38;
	[tilespmem:$0x1CF00] =	vst v63  }
0x6c: {  	_ =	swait.ge [sflag:s4], $0x1400  }
0x6d: {  	[sflag:s4] =	ssyncset.done $0x0  }
0x6e: {  	s26 =	rddreg [dreg:$0x13];
	[sflag:s4] =	ssyncadd.s32 $0xFFFFEC00  }
0x6f: {  	[spmem:s26] =	stream.linear.scatter [tilespmem:s2], [sflag:$0x5], $0x1400, $0x38;
	[tilespmem:$0x1CF00] =	vst v63  }
0x70: {  	_ =	swait.ge [sflag:s4], $0x1400  }
0x71: {  	[sflag:s4] =	ssyncset.done $0x0  }
0x72: {  	s29 =	rddreg [dreg:$0x14];
	[sflag:s4] =	ssyncadd.s32 $0xFFFFEC00  }
0x73: {  	[spmem:s29] =	stream.linear.scatter [tilespmem:s2], [sflag:$0x5], $0x1400, $0x38;
	[tilespmem:$0x1CF00] =	vst v63  }
0x74: {  	_ =	swait.ge [sflag:s4], $0x1400  }
0x75: {  	[sflag:s4] =	ssyncset.done $0x0  }
0x76: {  	s30 =	rddreg [dreg:$0x15];
	[sflag:s4] =	ssyncadd.s32 $0xFFFFEC00  }
0x77: {  	[spmem:s30] =	stream.linear.scatter [tilespmem:s2], [sflag:$0x5], $0x1400, $0x38;
	[tilespmem:$0x1CF00] =	vst v63  }
0x78: {  	_ =	swait.ge [sflag:s4], $0x1400  }
0x79: {  	[sflag:s4] =	ssyncset.done $0x0  }
0x7a: {  	s31 =	rddreg [dreg:$0x16];
	[sflag:s4] =	ssyncadd.s32 $0xFFFFEC00  }
0x7b: {  	[spmem:s31] =	stream.linear.scatter [tilespmem:s2], [sflag:$0x5], $0x1400, $0x38;
	[tilespmem:$0x1CF00] =	vst v63  }
0x7c: {  	_ =	swait.ge [sflag:s4], $0x1400  }
0x7d: {  	[sflag:s4] =	ssyncset.done $0x0  }
0x7e: {  	[sflag:s4] =	ssyncadd.s32 $0xFFFFEC00  }
0x7f: {  	s28 =	simm.s32 $0x0;
	s26 =	simm.s32 $0x0;
	[bflag:$0x0] =	sbarrier.arrive $0xFFFF  }
.LBB2_6:
0x80: {  	s13 =	smul.u32 $0x50, s28;
	_ =	sdelay $0x1  }
0x81: {  	s30 =	sadd.s32 s11, s13  }
0x82: {  	s13 =	sshrl.u32 s30, $0x3  }
0x83: {  	s24 =	sadd.s32 s8, s13  }
0x84: {  	[tilespmem:s26], [sflag:$0x5] =	stream.linear.gather [hbm4b:s24+s26], $0x28, $0x38;
	[tilespmem:$0x1CF00] =	vst v63  }
0x85: {  	_ =	swait.ge [sflag:s4], $0x28  }
0x86: {  	[sflag:s4] =	ssyncset.done $0x0  }
0x87: {  	s13 =	sadd.s32 s9, s13;
	[sflag:s4] =	ssyncadd.s32 $0xFFFFFFD8  }
0x88: {  	[tilespmem:s0], [sflag:$0x5] =	stream.linear.gather [hbm4b:s13+s26], $0x28, $0x38;
	[tilespmem:$0x1CF00] =	vst v63  }
0x89: {  	_ =	swait.ge [sflag:s4], $0x28  }
0x8a: {  	[sflag:s4] =	ssyncset.done $0x0  }
0x8b: {  	s29 =	sadd.s32 $0x28, s30;
	[sflag:s4] =	ssyncadd.s32 $0xFFFFFFD8  }
0x8c: {  	[tilespmem:s2], [sflag:$0x1] =	stream.indirect.gather [hbm4b:s6+s1], $0x80, s26, s1, $0xb8;
	[tilespmem:$0x1CF00] =	vst v63  }
0x8d: {  	s13 =	sshrl.u32 s29, $0x3  }
0x8e: {  	[tilespmem:s12], [sflag:$0x2] =	stream.indirect.gather [hbm4b:s7+s1], $0x80, s0, s1, $0xb8;
	[tilespmem:$0x1CF00] =	vst v63  }
0x8f: {  	s24 =	sadd.s32 s8, s13  }
0x90: {  	[tilespmem:s14], [sflag:$0x5] =	stream.linear.gather [hbm4b:s24+s26], $0x28, $0x38;
	[tilespmem:$0x1CF00] =	vst v63  }
0x91: {  	_ =	swait.ge [sflag:s4], $0x28  }
0x92: {  	[sflag:s4] =	ssyncset.done $0x0  }
0x93: {  	s13 =	sadd.s32 s9, s13;
	[sflag:s4] =	ssyncadd.s32 $0xFFFFFFD8  }
0x94: {  	[tilespmem:s15], [sflag:$0x5] =	stream.linear.gather [hbm4b:s13+s26], $0x28, $0x38;
	[tilespmem:$0x1CF00] =	vst v63  }
0x95: {  	_ =	swait.ge [sflag:s4], $0x28  }
0x96: {  	[sflag:s4] =	ssyncset.done $0x0  }
0x97: {  	[sflag:s4] =	ssyncadd.s32 $0xFFFFFFD8  }
0x98: {  	[tilespmem:s16], [sflag:$0x3] =	stream.indirect.gather [hbm4b:s6+s1], $0x80, s14, s1, $0xb8;
	[tilespmem:$0x1CF00] =	vst v63  }
0x99: {  	_ = 	snop  }
0x9a: {  	[tilespmem:s17], [sflag:$0x4] =	stream.indirect.gather [hbm4b:s7+s1], $0x80, s15, s1, $0xb8;
	[tilespmem:$0x1CF00] =	vst v63  }
0x9b: {  	_ =	swait.ge [sflag:s18], $0x1400  }
0x9c: {  	[sflag:s18] =	ssyncset.done $0x0  }
0x9d: {  	[sflag:s18] =	ssyncadd.s32 $0xFFFFEC00  }
0x9e: {  	_ =	swait.ge [sflag:s19], $0x1400  }
0x9f: {  	[sflag:s19] =	ssyncset.done $0x0  }
0xa0: {  	s31 =	simm.s32 $0x0;
	[sflag:s19] =	ssyncadd.s32 $0xFFFFEC00  }
0xa1: {  	v5 =	vld [tilespmem:s31+$0x270]  }
0xa2: {  	v3 =	vld [tilespmem:s31+$0x260]  }
0xa3: {  	v2 =	vld [tilespmem:s31+$0x250]  }
0xa4: {  	v4 =	vld [tilespmem:s31+$0x240]  }
0xa5: {  	v6 =	vld [tilespmem:s31+$0x230]  }
0xa6: {  	v7 =	vld [tilespmem:s31+$0x220]  }
0xa7: {  	v8 =	vld [tilespmem:s31+$0x200]  }
0xa8: {  	v9 =	vld [tilespmem:s31+$0x1600]  }
0xa9: {  	v10 =	vld [tilespmem:s31+$0x210]  }
0xaa: {  	v11 =	vld [tilespmem:s31+$0x1610]  }
0xab: {  	v12 =	vld [tilespmem:$0x6600]  }
0xac: {  	v13 =	vld [tilespmem:s31+$0x1620]  }
0xad: {  	v14 =	vld [tilespmem:$0x6610];
	v8 =	vadd.f32 v9, v8  }
0xae: {  	v9 =	vld [tilespmem:s31+$0x1630]  }
0xaf: {  	v15 =	vld [tilespmem:$0x6620];
	v10 =	vadd.f32 v11, v10;
	v8 =	vmax.f32 v8, $0.0e+00  }
0xb0: {  	v11 =	vld [tilespmem:s31+$0x1640];
	v8 =	vmul.f32 v8, v12  }
0xb1: {  	v59 =	vld [tilespmem:$0x6630];
	v7 =	vadd.f32 v13, v7;
	v10 =	vmax.f32 v10, $0.0e+00  }
0xb2: {  	v60 =	vld [tilespmem:s31+$0x1650];
	v10 =	vmul.f32 v10, v14;
	v8 =	vadd.f32 $0.0e+00, v8  }
0xb3: {  	v61 =	vld [tilespmem:$0x6640];
	v7 =	vmax.f32 v7, $0.0e+00;
	v6 =	vadd.f32 v9, v6  }
0xb4: {  	v7 =	vmul.f32 v7, v15;
	v9 =	vld [tilespmem:s31+$0x1660];
	v8 =	vadd.f32 v10, v8  }
0xb5: {  	v4 =	vadd.f32 v11, v4;
	v10 =	vld [tilespmem:$0x6650];
	v6 =	vmax.f32 v6, $0.0e+00  }
0xb6: {  	v11 =	vld [tilespmem:s31+$0x1670];
	v6 =	vmul.f32 v6, v59;
	v7 =	vadd.f32 v7, v8  }
0xb7: {  	v62 =	vadd.f32 v60, v2;
	v4 =	vmax.f32 v4, $0.0e+00;
	v8 =	vld [tilespmem:$0x6660]  }
0xb8: {  	s13 =	simm.s32 $0x80;
	v63 =	vld [tilespmem:$0x6670];
	v4 =	vmul.f32 v4, v61;
	v6 =	vadd.f32 v6, v7  }
0xb9: {  	v2 =	vld [tilespmem:s13+$0x270];
	v9 =	vadd.f32 v9, v3;
	v7 =	vmax.f32 v62, $0.0e+00  }
0xba: {  	v3 =	vld [tilespmem:s13+$0x260];
	v7 =	vmul.f32 v7, v10;
	v6 =	vadd.f32 v4, v6  }
0xbb: {  	v9 =	vmax.f32 v9, $0.0e+00;
	v10 =	vadd.f32 v11, v5;
	v5 =	vld [tilespmem:s13+$0x240]  }
0xbc: {  	v4 =	vld [tilespmem:s13+$0x250];
	v8 =	vmul.f32 v9, v8;
	v11 =	vadd.f32 v7, v6  }
0xbd: {  	v10 =	vmax.f32 v10, $0.0e+00;
	v6 =	vld [tilespmem:s13+$0x230]  }
0xbe: {  	v7 =	vld [tilespmem:s13+$0x220];
	v10 =	vmul.f32 v10, v63;
	v9 =	vadd.f32 v8, v11  }
0xbf: {  	s24 =	simm.s32 $0x400;
	v8 =	vld [tilespmem:s13+$0x200]  }
.LBB2_7:
0xc0: {  	p0 =	sne.s32 s24, $0x4E00;
	v11 =	vld [tilespmem:s13+$0x1600];
	v9 =	vadd.f32 v10, v9  }
0xc1: {  	v10 =	vld [tilespmem:s13+$0x210]  }
0xc2: {  	v12 =	vld [tilespmem:s13+$0x1610];
	[tilespmem:s31+$0x5200] =	vst v9;
	s31 =	smov.u32 s13  }
0xc3: {  	v9 =	vld [tilespmem:$0x6600]  }
0xc4: {  	v13 =	vld [tilespmem:s31+$0x1620]  }
0xc5: {  	v8 =	vadd.f32 v11, v8;
	v11 =	vld [tilespmem:$0x6610]  }
0xc6: {  	v14 =	vld [tilespmem:s31+$0x1630]  }
0xc7: {  	v8 =	vmax.f32 v8, $0.0e+00;
	v10 =	vadd.f32 v12, v10;
	v12 =	vld [tilespmem:$0x6620]  }
0xc8: {  	v8 =	vmul.f32 v8, v9;
	v9 =	vld [tilespmem:s31+$0x1640]  }
0xc9: {  	v10 =	vmax.f32 v10, $0.0e+00;
	v7 =	vadd.f32 v13, v7;
	v13 =	vld [tilespmem:$0x6630]  }
0xca: {  	v8 =	vadd.f32 $0.0e+00, v8;
	v10 =	vmul.f32 v10, v11;
	v11 =	vld [tilespmem:s31+$0x1650]  }
0xcb: {  	v7 =	vmax.f32 v7, $0.0e+00;
	v6 =	vadd.f32 v14, v6;
	v14 =	vld [tilespmem:$0x6640]  }
0xcc: {  	v8 =	vadd.f32 v10, v8;
	v7 =	vmul.f32 v7, v12;
	v10 =	vld [tilespmem:s31+$0x1660]  }
0xcd: {  	v6 =	vmax.f32 v6, $0.0e+00;
	v5 =	vadd.f32 v9, v5;
	v9 =	vld [tilespmem:$0x6650]  }
0xce: {  	v7 =	vadd.f32 v7, v8;
	v6 =	vmul.f32 v6, v13;
	v8 =	vld [tilespmem:s31+$0x1670]  }
0xcf: {  	s13 =	sshra.s32 s24, $0x2;
	v5 =	vmax.f32 v5, $0.0e+00;
	v4 =	vadd.f32 v11, v4;
	v11 =	vld [tilespmem:$0x6660]  }
0xd0: {  	v12 =	vld [tilespmem:s13+$0x270];
	v6 =	vadd.f32 v6, v7;
	v5 =	vmul.f32 v5, v14  }
0xd1: {  	v4 =	vmax.f32 v4, $0.0e+00;
	v7 =	vadd.f32 v10, v3;
	v10 =	vld [tilespmem:$0x6670]  }
0xd2: {  	v3 =	vld [tilespmem:s13+$0x260];
	v6 =	vadd.f32 v5, v6;
	v9 =	vmul.f32 v4, v9  }
.Ltmp2:
0xd3: {  	v4 =	vld [tilespmem:s13+$0x250];
	v7 =	vmax.f32 v7, $0.0e+00;
	v13 =	vadd.f32 v8, v2;
	(pc) =	sbr.rel @p0 .LBB2_7-.Ltmp2, $4  }
0xd4: {  	v5 =	vld [tilespmem:s13+$0x240];
	v8 =	vadd.f32 v9, v6;
	v9 =	vmul.f32 v7, v11  }
0xd5: {  	v6 =	vld [tilespmem:s13+$0x230];
	v11 =	vmax.f32 v13, $0.0e+00;
	v2 =	vmov v12  }
0xd6: {  	v7 =	vld [tilespmem:s13+$0x220];
	v9 =	vadd.f32 v9, v8;
	v10 =	vmul.f32 v11, v10  }
0xd7: {  	s24 =	sadd.s32 $0x200, s24;
	v8 =	vld [tilespmem:s13+$0x200]  }
0xd8: {  	v11 =	vld [tilespmem:s13+$0x1600];
	v9 =	vadd.f32 v10, v9  }
0xd9: {  	v10 =	vld [tilespmem:s13+$0x210]  }
0xda: {  	v12 =	vld [tilespmem:s13+$0x1610];
	[tilespmem:s31+$0x5200] =	vst v9  }
0xdb: {  	v9 =	vld [tilespmem:$0x6600]  }
0xdc: {  	v13 =	vld [tilespmem:s13+$0x1620]  }
0xdd: {  	v8 =	vadd.f32 v11, v8;
	v11 =	vld [tilespmem:$0x6610]  }
0xde: {  	v14 =	vld [tilespmem:s13+$0x1630]  }
0xdf: {  	v53 =	vld [tilespmem:$0x6620];
	v10 =	vadd.f32 v12, v10;
	v8 =	vmax.f32 v8, $0.0e+00  }
0xe0: {  	v8 =	vmul.f32 v8, v9;
	v9 =	vld [tilespmem:s13+$0x1640]  }
0xe1: {  	v54 =	vld [tilespmem:$0x6630];
	v10 =	vmax.f32 v10, $0.0e+00;
	v7 =	vadd.f32 v13, v7  }
0xe2: {  	v8 =	vadd.f32 $0.0e+00, v8;
	v10 =	vmul.f32 v10, v11;
	v11 =	vld [tilespmem:s13+$0x1650]  }
0xe3: {  	v55 =	vld [tilespmem:$0x6640];
	v6 =	vadd.f32 v14, v6;
	v7 =	vmax.f32 v7, $0.0e+00  }
0xe4: {  	v7 =	vmul.f32 v7, v53;
	v8 =	vadd.f32 v10, v8;
	v10 =	vld [tilespmem:s13+$0x1660]  }
0xe5: {  	v6 =	vmax.f32 v6, $0.0e+00;
	v5 =	vadd.f32 v9, v5;
	v9 =	vld [tilespmem:$0x6650]  }
0xe6: {  	v6 =	vmul.f32 v6, v54;
	v7 =	vadd.f32 v7, v8;
	v8 =	vld [tilespmem:s13+$0x1670]  }
0xe7: {  	v5 =	vmax.f32 v5, $0.0e+00;
	v4 =	vadd.f32 v11, v4;
	v11 =	vld [tilespmem:$0x6660]  }
0xe8: {  	v6 =	vadd.f32 v6, v7;
	v5 =	vmul.f32 v5, v55  }
0xe9: {  	v7 =	vld [tilespmem:$0x6670];
	v4 =	vmax.f32 v4, $0.0e+00;
	v3 =	vadd.f32 v10, v3  }
0xea: {  	v5 =	vadd.f32 v5, v6;
	v4 =	vmul.f32 v4, v9  }
0xeb: {  	v3 =	vmax.f32 v3, $0.0e+00;
	v2 =	vadd.f32 v8, v2  }
0xec: {  	v4 =	vadd.f32 v4, v5;
	v3 =	vmul.f32 v3, v11  }
0xed: {  	v2 =	vmax.f32 v2, $0.0e+00  }
0xee: {  	v3 =	vadd.f32 v3, v4;
	v2 =	vmul.f32 v2, v7;
	_ =	sdelay $0x1  }
0xef: {  	v2 =	vadd.f32 v2, v3  }
0xf0: {  	s24 =	sshll.u32 s30, $0x4  }
0xf1: {  	s24 =	sadd.s32 s10, s24;
	s31 =	simm.s32 $0x0;
	[tilespmem:s13+$0x5200] =	vst v2  }
0xf2: {  	[hbm4b:s24+s31] =	stream.linear.scatter [tilespmem:s20], [sflag:$0x5], $0x1400, $0x38;
	[tilespmem:$0x1CF00] =	vst v63  }
0xf3: {  	_ =	swait.ge [sflag:s4], $0x1400  }
0xf4: {  	[sflag:s4] =	ssyncset.done $0x0  }
0xf5: {  	[sflag:s4] =	ssyncadd.s32 $0xFFFFEC00  }
0xf6: {  	[spmem:s3] =	stream.indirect.scatter.add.f32 [tilespmem:s2], [sflag:$0x5], $0x80, s0, s1, $0xb8;
	[tilespmem:$0x1CF00] =	vst v63  }
0xf7: {  	_ =	swait.ge [sflag:s4], $0x1400  }
0xf8: {  	[sflag:s4] =	ssyncset.done $0x0  }
0xf9: {  	[sflag:s4] =	ssyncadd.s32 $0xFFFFEC00  }
0xfa: {  	v2 =	vld [tilespmem:$0x80];
	_ =	sdelay $0x7  }
0xfb: {  	[tilespmem:v2+s21+$0x0] =	vst.idx.add.f32.msk $0xffff, v1  }
0xfc: {  	v2 =	vld [tilespmem:$0x90];
	_ =	sdelay $0x7  }
0xfd: {  	[tilespmem:v2+s21+$0x0] =	vst.idx.add.f32.msk $0xffff, v1  }
0xfe: {  	v2 =	vld [tilespmem:$0x98];
	_ =	sdelay $0x2  }
0xff: {  	v3 =	vld [tilespmem:$0x6680];
	_ =	sdelay $0x4  }
0x100: {  	[tilespmem:v2+s21+$0x0] =	vst.idx.add.f32.msk $0xffff, v3  }
0x101: {  	_ =	swait.ge [sflag:s22], $0x1400  }
0x102: {  	[sflag:s22] =	ssyncset.done $0x0  }
0x103: {  	[sflag:s22] =	ssyncadd.s32 $0xFFFFEC00  }
0x104: {  	_ =	swait.ge [sflag:s23], $0x1400  }
0x105: {  	[sflag:s23] =	ssyncset.done $0x0  }
0x106: {  	s30 =	simm.s32 $0x0;
	[sflag:s23] =	ssyncadd.s32 $0xFFFFEC00  }
0x107: {  	v5 =	vld [tilespmem:s30+$0x2A70]  }
0x108: {  	v3 =	vld [tilespmem:s30+$0x2A60]  }
0x109: {  	v2 =	vld [tilespmem:s30+$0x2A50]  }
0x10a: {  	v4 =	vld [tilespmem:s30+$0x2A40]  }
0x10b: {  	v6 =	vld [tilespmem:s30+$0x2A30]  }
0x10c: {  	v7 =	vld [tilespmem:s30+$0x2A20]  }
0x10d: {  	v8 =	vld [tilespmem:s30+$0x2A00]  }
0x10e: {  	v9 =	vld [tilespmem:s30+$0x3E00]  }
0x10f: {  	v10 =	vld [tilespmem:s30+$0x2A10]  }
0x110: {  	v11 =	vld [tilespmem:s30+$0x3E10]  }
0x111: {  	v56 =	vld [tilespmem:$0x6600]  }
0x112: {  	v57 =	vld [tilespmem:s30+$0x3E20]  }
0x113: {  	v58 =	vld [tilespmem:$0x6610];
	v8 =	vadd.f32 v9, v8  }
0x114: {  	v9 =	vld [tilespmem:s30+$0x3E30]  }
0x115: {  	v15 =	vld [tilespmem:$0x6620];
	v10 =	vadd.f32 v11, v10;
	v8 =	vmax.f32 v8, $0.0e+00  }
0x116: {  	v11 =	vld [tilespmem:s30+$0x3E40];
	v8 =	vmul.f32 v8, v56  }
0x117: {  	v59 =	vld [tilespmem:$0x6630];
	v7 =	vadd.f32 v57, v7;
	v10 =	vmax.f32 v10, $0.0e+00  }
0x118: {  	v60 =	vld [tilespmem:s30+$0x3E50];
	v10 =	vmul.f32 v10, v58;
	v8 =	vadd.f32 $0.0e+00, v8  }
0x119: {  	v61 =	vld [tilespmem:$0x6640];
	v7 =	vmax.f32 v7, $0.0e+00;
	v6 =	vadd.f32 v9, v6  }
0x11a: {  	v7 =	vmul.f32 v7, v15;
	v9 =	vld [tilespmem:s30+$0x3E60];
	v8 =	vadd.f32 v10, v8  }
0x11b: {  	v4 =	vadd.f32 v11, v4;
	v10 =	vld [tilespmem:$0x6650];
	v6 =	vmax.f32 v6, $0.0e+00  }
0x11c: {  	v11 =	vld [tilespmem:s30+$0x3E70];
	v6 =	vmul.f32 v6, v59;
	v7 =	vadd.f32 v7, v8  }
0x11d: {  	v62 =	vadd.f32 v60, v2;
	v4 =	vmax.f32 v4, $0.0e+00;
	v8 =	vld [tilespmem:$0x6660]  }
0x11e: {  	s13 =	simm.s32 $0x80;
	v63 =	vld [tilespmem:$0x6670];
	v4 =	vmul.f32 v4, v61;
	v6 =	vadd.f32 v6, v7  }
0x11f: {  	v2 =	vld [tilespmem:s13+$0x2A70];
	v9 =	vadd.f32 v9, v3;
	v7 =	vmax.f32 v62, $0.0e+00  }
0x120: {  	v3 =	vld [tilespmem:s13+$0x2A60];
	v7 =	vmul.f32 v7, v10;
	v6 =	vadd.f32 v4, v6  }
0x121: {  	v9 =	vmax.f32 v9, $0.0e+00;
	v10 =	vadd.f32 v11, v5;
	v5 =	vld [tilespmem:s13+$0x2A40]  }
0x122: {  	v4 =	vld [tilespmem:s13+$0x2A50];
	v8 =	vmul.f32 v9, v8;
	v11 =	vadd.f32 v7, v6  }
0x123: {  	v10 =	vmax.f32 v10, $0.0e+00;
	v6 =	vld [tilespmem:s13+$0x2A30]  }
0x124: {  	v7 =	vld [tilespmem:s13+$0x2A20];
	v10 =	vmul.f32 v10, v63;
	v9 =	vadd.f32 v8, v11  }
0x125: {  	s24 =	simm.s32 $0x400;
	v8 =	vld [tilespmem:s13+$0x2A00]  }
.LBB2_9:
0x126: {  	p0 =	sne.s32 s24, $0x4E00;
	v11 =	vld [tilespmem:s13+$0x3E00];
	v9 =	vadd.f32 v10, v9  }
0x127: {  	v10 =	vld [tilespmem:s13+$0x2A10]  }
0x128: {  	v12 =	vld [tilespmem:s13+$0x3E10];
	[tilespmem:s30+$0x5200] =	vst v9;
	s30 =	smov.u32 s13  }
0x129: {  	v9 =	vld [tilespmem:$0x6600]  }
0x12a: {  	v13 =	vld [tilespmem:s30+$0x3E20]  }
0x12b: {  	v8 =	vadd.f32 v11, v8;
	v11 =	vld [tilespmem:$0x6610]  }
0x12c: {  	v14 =	vld [tilespmem:s30+$0x3E30]  }
0x12d: {  	v8 =	vmax.f32 v8, $0.0e+00;
	v10 =	vadd.f32 v12, v10;
	v12 =	vld [tilespmem:$0x6620]  }
0x12e: {  	v8 =	vmul.f32 v8, v9;
	v9 =	vld [tilespmem:s30+$0x3E40]  }
0x12f: {  	v10 =	vmax.f32 v10, $0.0e+00;
	v7 =	vadd.f32 v13, v7;
	v13 =	vld [tilespmem:$0x6630]  }
0x130: {  	v8 =	vadd.f32 $0.0e+00, v8;
	v10 =	vmul.f32 v10, v11;
	v11 =	vld [tilespmem:s30+$0x3E50]  }
0x131: {  	v7 =	vmax.f32 v7, $0.0e+00;
	v6 =	vadd.f32 v14, v6;
	v14 =	vld [tilespmem:$0x6640]  }
0x132: {  	v8 =	vadd.f32 v10, v8;
	v7 =	vmul.f32 v7, v12;
	v10 =	vld [tilespmem:s30+$0x3E60]  }
0x133: {  	v6 =	vmax.f32 v6, $0.0e+00;
	v5 =	vadd.f32 v9, v5;
	v9 =	vld [tilespmem:$0x6650]  }
0x134: {  	v7 =	vadd.f32 v7, v8;
	v6 =	vmul.f32 v6, v13;
	v8 =	vld [tilespmem:s30+$0x3E70]  }
0x135: {  	s13 =	sshra.s32 s24, $0x2;
	v5 =	vmax.f32 v5, $0.0e+00;
	v4 =	vadd.f32 v11, v4;
	v11 =	vld [tilespmem:$0x6660]  }
0x136: {  	v12 =	vld [tilespmem:s13+$0x2A70];
	v6 =	vadd.f32 v6, v7;
	v5 =	vmul.f32 v5, v14  }
0x137: {  	v4 =	vmax.f32 v4, $0.0e+00;
	v7 =	vadd.f32 v10, v3;
	v10 =	vld [tilespmem:$0x6670]  }
0x138: {  	v3 =	vld [tilespmem:s13+$0x2A60];
	v6 =	vadd.f32 v5, v6;
	v9 =	vmul.f32 v4, v9  }
.Ltmp3:
0x139: {  	v4 =	vld [tilespmem:s13+$0x2A50];
	v7 =	vmax.f32 v7, $0.0e+00;
	v13 =	vadd.f32 v8, v2;
	(pc) =	sbr.rel @p0 .LBB2_9-.Ltmp3, $4  }
0x13a: {  	v5 =	vld [tilespmem:s13+$0x2A40];
	v8 =	vadd.f32 v9, v6;
	v9 =	vmul.f32 v7, v11  }
0x13b: {  	v6 =	vld [tilespmem:s13+$0x2A30];
	v11 =	vmax.f32 v13, $0.0e+00;
	v2 =	vmov v12  }
0x13c: {  	v7 =	vld [tilespmem:s13+$0x2A20];
	v9 =	vadd.f32 v9, v8;
	v10 =	vmul.f32 v11, v10  }
0x13d: {  	s24 =	sadd.s32 $0x200, s24;
	v8 =	vld [tilespmem:s13+$0x2A00]  }
0x13e: {  	v11 =	vld [tilespmem:s13+$0x3E00];
	v9 =	vadd.f32 v10, v9  }
0x13f: {  	v52 =	vld [tilespmem:s13+$0x2A10]  }
0x140: {  	v12 =	vld [tilespmem:s13+$0x3E10];
	[tilespmem:s30+$0x5200] =	vst v9  }
0x141: {  	v9 =	vld [tilespmem:$0x6600]  }
0x142: {  	v13 =	vld [tilespmem:s13+$0x3E20]  }
0x143: {  	v53 =	vld [tilespmem:$0x6610];
	v8 =	vadd.f32 v11, v8  }
0x144: {  	v14 =	vld [tilespmem:s13+$0x3E30]  }
0x145: {  	v54 =	vld [tilespmem:$0x6620];
	v10 =	vadd.f32 v12, v52;
	v8 =	vmax.f32 v8, $0.0e+00  }
0x146: {  	v55 =	vld [tilespmem:s13+$0x3E40];
	v8 =	vmul.f32 v8, v9  }
0x147: {  	v56 =	vld [tilespmem:$0x6630];
	v10 =	vmax.f32 v10, $0.0e+00;
	v7 =	vadd.f32 v13, v7  }
0x148: {  	v57 =	vld [tilespmem:s13+$0x3E50];
	v10 =	vmul.f32 v10, v53;
	v8 =	vadd.f32 $0.0e+00, v8  }
0x149: {  	v58 =	vld [tilespmem:$0x6640];
	v6 =	vadd.f32 v14, v6;
	v7 =	vmax.f32 v7, $0.0e+00  }
0x14a: {  	v59 =	vld [tilespmem:s13+$0x3E60];
	v7 =	vmul.f32 v7, v54;
	v8 =	vadd.f32 v10, v8  }
0x14b: {  	v60 =	vld [tilespmem:$0x6650];
	v5 =	vadd.f32 v55, v5;
	v6 =	vmax.f32 v6, $0.0e+00  }
0x14c: {  	v61 =	vld [tilespmem:s13+$0x3E70];
	v6 =	vmul.f32 v6, v56;
	v7 =	vadd.f32 v7, v8  }
0x14d: {  	v62 =	vld [tilespmem:$0x6660];
	v4 =	vadd.f32 v57, v4;
	v5 =	vmax.f32 v5, $0.0e+00  }
0x14e: {  	v5 =	vmul.f32 v5, v58;
	v6 =	vadd.f32 v6, v7  }
0x14f: {  	v63 =	vld [tilespmem:$0x6670];
	v3 =	vadd.f32 v59, v3;
	v4 =	vmax.f32 v4, $0.0e+00  }
0x150: {  	v4 =	vmul.f32 v4, v60;
	v5 =	vadd.f32 v5, v6  }
0x151: {  	v2 =	vadd.f32 v61, v2;
	v3 =	vmax.f32 v3, $0.0e+00  }
0x152: {  	v3 =	vmul.f32 v3, v62;
	v4 =	vadd.f32 v4, v5  }
0x153: {  	v2 =	vmax.f32 v2, $0.0e+00  }
0x154: {  	v2 =	vmul.f32 v2, v63;
	v3 =	vadd.f32 v3, v4;
	_ =	sdelay $0x1  }
0x155: {  	v2 =	vadd.f32 v2, v3  }
0x156: {  	s24 =	sshll.u32 s29, $0x4  }
0x157: {  	s31 =	sadd.s32 s10, s24;
	[tilespmem:s13+$0x5200] =	vst v2  }
0x158: {  	[hbm4b:s31+s5] =	stream.linear.scatter [tilespmem:s20], [sflag:$0x5], $0x1400, $0x38;
	[tilespmem:$0x1CF00] =	vst v63  }
0x159: {  	_ =	swait.ge [sflag:s4], $0x1400  }
0x15a: {  	[sflag:s4] =	ssyncset.done $0x0  }
0x15b: {  	[sflag:s4] =	ssyncadd.s32 $0xFFFFEC00  }
0x15c: {  	[spmem:s3] =	stream.indirect.scatter.add.f32 [tilespmem:s16], [sflag:$0x5], $0x80, s15, s1, $0xb8;
	[tilespmem:$0x1CF00] =	vst v63  }
0x15d: {  	_ =	swait.ge [sflag:s4], $0x1400  }
0x15e: {  	[sflag:s4] =	ssyncset.done $0x0  }
0x15f: {  	[sflag:s4] =	ssyncadd.s32 $0xFFFFEC00  }
0x160: {  	v2 =	vld [tilespmem:$0x180];
	_ =	sdelay $0x7  }
0x161: {  	[tilespmem:v2+s21+$0x0] =	vst.idx.add.f32.msk $0xffff, v1  }
0x162: {  	v2 =	vld [tilespmem:$0x190];
	_ =	sdelay $0x7  }
0x163: {  	[tilespmem:v2+s21+$0x0] =	vst.idx.add.f32.msk $0xffff, v1  }
0x164: {  	v2 =	vld [tilespmem:$0x198];
	_ =	sdelay $0x1  }
0x165: {  	s28 =	sadd.s32 $0x1, s28  }
0x166: {  	p0 =	sne.s32 s28, $0x7D;
	v3 =	vld [tilespmem:$0x6680]  }
.Ltmp4:
0x167: {  	_ = 	snop;
	(pc) =	sbr.rel @p0 .LBB2_6-.Ltmp4, $2  }
0x168: {  	_ =	sdelay $0x2  }
0x169: {  	[tilespmem:v2+s21+$0x0] =	vst.idx.add.f32.msk $0xffff, v3  }
0x16a: {  	[bflag:$0x0] =	sbarrier.arrive $0xFFFF  }
0x16b: {  	s28 =	rddreg [dreg:$0x6]  }
0x16c: {  	[tilespmem:s2], [sflag:$0x5] =	stream.linear.gather [spmem:s28], $0x1400, $0x38;
	[tilespmem:$0x1CF00] =	vst v63  }
0x16d: {  	_ =	swait.ge [sflag:s4], $0x1400  }
0x16e: {  	[sflag:s4] =	ssyncset.done $0x0  }
0x16f: {  	s13 =	sadd.s32 $0x0, s25;
	[sflag:s4] =	ssyncadd.s32 $0xFFFFEC00  }
0x170: {  	[hbm4b:s13+s5] =	stream.linear.scatter [tilespmem:s2], [sflag:$0x5], $0x1400, $0x38;
	[tilespmem:$0x1CF00] =	vst v63  }
0x171: {  	_ =	swait.ge [sflag:s4], $0x1400  }
0x172: {  	s24 =	smov.u32 s28;
	s13 =	simm.s32 $0x280;
	[sflag:s4] =	ssyncset.done $0x0  }
.LBB2_12:
0x173: {  	p0 =	sne.s32 s13, $0x2580;
	[sflag:s4] =	ssyncadd.s32 $0xFFFFEC00;
	s24 =	sadd.s32 $0x1400, s24  }
0x174: {  	[tilespmem:s2], [sflag:$0x5] =	stream.linear.gather [spmem:s24], $0x1400, $0x38;
	[tilespmem:$0x1CF00] =	vst v63  }
0x175: {  	s26 =	smov.u32 s13;
	s13 =	sadd.s32 $0x280, s13;
	_ =	swait.ge [sflag:s4], $0x1400  }
.Ltmp5:
0x176: {  	[sflag:s4] =	ssyncset.done $0x0;
	(pc) =	sbr.rel @p0 .LBB2_12-.Ltmp5, $4  }
0x177: {  	s26 =	sadd.s32 s26, s25;
	[sflag:s4] =	ssyncadd.s32 $0xFFFFEC00  }
0x178: {  	[hbm4b:s26+s5] =	stream.linear.scatter [tilespmem:s2], [sflag:$0x5], $0x1400, $0x38;
	[tilespmem:$0x1CF00] =	vst v63  }
0x179: {  	_ =	swait.ge [sflag:s4], $0x1400  }
0x17a: {  	[sflag:s4] =	ssyncset.done $0x0  }
0x17b: {  	[sflag:s4] =	ssyncadd.s32 $0xFFFFEC00;
	s13 =	rddreg [dreg:$0x5];
	s24 =	simm.s32 $0x400  }
0x17c: {  	[hbm4b:s13+s0] =	stream.strided.scatter [tilespmem:s21], [sflag:$0x5], $0x2800, s24, s0, $0x38;
	[tilespmem:$0x1CF00] =	vst v63  }
0x17d: {  	_ =	swait.ge [sflag:s4], $0x2800  }
0x17e: {  	s30 =	rddreg [dreg:$0x17]  }
0x17f: {  	s31 =	rddreg [dreg:$0x7];
	s24 =	sadd.s32 $0x1, s30  }
0x180: {  	p0 =	sne.s32 s24, s31  }
.Ltmp6:
0x181: {  	_ = 	snop;
	(pc) =	sbr.rel @p0 .LBB2_1-.Ltmp6, $3  }
0x182: {  	_ =	sdelay $0x1  }
0x183: {  	[sflag:s4] =	ssyncset.done $0x0  }
0x184: {  	[sflag:s4] =	ssyncadd.s32 $0xFFFFD800  }
0x185: {  	_ =	sfence.sel $0x180000  }
0x186: {  	[bflag:$0x0] =	sbarrier.arrive $0xFFFF  }
0x187: {  	_ =	strace $0x90000047  }
0x188: {  	s0 =	stileid.u32;
	[bflag:$0x2] =	sbarrier.arrive $0xFFFF  }
0x189: {  	p0 =	sne.s32 s0, $0x0;
	s0 =	rddreg [dreg:$0x4]  }
0x18a: {  	s0 =	sadd.s32 @!p0 $0x100000, s0  }
0x18b: {  	[sflag:s0] =	ssyncadd.tile.s32 @!p0 $0x1;
	_ =	shalt  }
.Lfunc_end2:
_tile_overlayer_lowered:
.L_overlay_start_2:
0x18c: {  	(tag) =	ssettag $0x2  }
0x18d: {  	s0 =	rddreg [dreg:$0x0];
	s2 =	stileid.u32  }
0x18e: {  	s1 =	rddreg [dreg:$0x1];
	p0 =	sne.s32 s2, $0x0  }
0x18f: {  	s3 =	rddreg [dreg:$0x2];
	[bflag:$0x3] =	sbarrier.arrive $0xFFFF;
	s2 =	simm.s32 @!p0 $0x1C05  }
0x190: {  	[timem:s3], [sflag:s2] =	dma.local @!p0 [hbm:s0], s1  }
0x191: {  	s0 =	simm.s32 @!p0 $0x5  }
0x192: {  	_ =	swait.ge @!p0 [sflag:s0], s1  }
0x193: {  	s1 =	ssub.s32 @!p0 $0x0, s1;
	[sflag:s0] =	ssyncset.done @!p0 $0x0  }
0x194: {  	[sflag:s0] =	ssyncadd.s32 @!p0 s1  }
0x195: {  	[bflag:$0x3] =	sbarrier.arrive $0xFFFF  }
0x196: {  	_ =	shalt  }

</sc_bundles>
